<compile_context>
chip_gen: v7x
topology: tpu7x:2x2x1
jax: 0.10.2.dev20260603
libtpu: 0.0.44.dev20260713+nightly
codegen_flags: <defaults>
</compile_context>

<pallas_src>
import functools

import jax
import jax.numpy as jnp
from jax import lax
from jax.experimental import pallas as pl
from jax.experimental.pallas import tpu as pltpu
from jax.experimental.pallas import tpu_sc as plsc

MARGIN = 0.2
EPS = 1e-6
N = 4096
D = 128
BR = 2048
LANES = 16
NC = 2
NS = 16
NW = NC * NS
BPW = N // NW


KEYMASK = 0x7FFFF000


def _mine_body(fbrow, fbcol, idband, idcol, pos_out, neg_out):
    ones = jnp.ones((1, D), jnp.bfloat16)
    g = fbcol[:, :]
    sqb = lax.dot_general(ones, g * g, (((1,), (1,)), ((), ())),
                          preferred_element_type=jnp.float32)
    ar = fbrow[:, :].astype(jnp.float32)
    sqa = jnp.sum(ar * ar, axis=1, keepdims=True)
    dotn = lax.dot_general(fbrow[:, :] * jnp.bfloat16(-2.0), fbcol[:, :],
                           (((1,), (1,)), ((), ())),
                           preferred_element_type=jnp.float32)
    d2 = jnp.maximum((sqa + sqb) + dotn, 0.0)
    kb = lax.bitcast_convert_type(d2, jnp.int32) & KEYMASK
    idrow = idband[:, :].reshape(BR, 1)
    same = idrow == idcol[:, :]
    iota = lax.broadcasted_iota(jnp.int32, (BR, N), 1)

    pkeyf = lax.bitcast_convert_type(kb | (4095 - iota), jnp.float32)
    pkey = jnp.where(same, pkeyf, -jnp.inf)
    pk = lax.bitcast_convert_type(
        jnp.max(pkey, axis=1, keepdims=True).reshape(1, BR), jnp.int32)
    pos_out[:, :] = jnp.where(pk < 4096, 0, 4095 - (pk & 4095))

    nkeyf = lax.bitcast_convert_type(kb | iota, jnp.float32)
    nkey = jnp.where(same, jnp.inf, nkeyf)
    nk = jnp.min(nkey, axis=1, keepdims=True).reshape(1, BR)
    nki = lax.bitcast_convert_type(nk, jnp.int32)
    neg_out[:, :] = jnp.where(jnp.isfinite(nk), nki & 4095, 0)


_mine = pl.pallas_call(
    _mine_body,
    grid=(N // BR,),
    in_specs=[
        pl.BlockSpec((BR, D), lambda r: (r, 0)),
        pl.BlockSpec((N, D), lambda r: (0, 0)),
        pl.BlockSpec((1, BR), lambda r: (0, r)),
        pl.BlockSpec((1, N), lambda r: (0, 0)),
    ],
    out_specs=[
        pl.BlockSpec((1, BR), lambda r: (0, r)),
        pl.BlockSpec((1, BR), lambda r: (0, r)),
    ],
    out_shape=[
        jax.ShapeDtypeStruct((1, N), jnp.int32),
        jax.ShapeDtypeStruct((1, N), jnp.int32),
    ],
)


def _sc_body(feat_hbm, pidx_hbm, nidx_hbm, outp_hbm, outn_hbm,
             pidx_v, nidx_v, self_v, pos_v, neg_v, accp_v, accn_v,
             sem_p, sem_n, sem_p2, sem_n2):
    wid = lax.axis_index("s") * NC + lax.axis_index("c")
    base = wid * BPW
    half = BPW // 2
    pltpu.sync_copy(pidx_hbm.at[0, pl.ds(base, BPW)], pidx_v)
    pltpu.sync_copy(nidx_hbm.at[0, pl.ds(base, BPW)], nidx_v)
    cp0 = pltpu.async_copy(feat_hbm.at[pidx_v.at[pl.ds(0, half)]],
                           pos_v.at[pl.ds(0, half)], sem_p)
    cn0 = pltpu.async_copy(feat_hbm.at[nidx_v.at[pl.ds(0, half)]],
                           neg_v.at[pl.ds(0, half)], sem_n)
    cp1 = pltpu.async_copy(feat_hbm.at[pidx_v.at[pl.ds(half, half)]],
                           pos_v.at[pl.ds(half, half)], sem_p2)
    cn1 = pltpu.async_copy(feat_hbm.at[nidx_v.at[pl.ds(half, half)]],
                           neg_v.at[pl.ds(half, half)], sem_n2)
    pltpu.sync_copy(feat_hbm.at[pl.ds(base, BPW)], self_v)

    def rowpair(k, carry):
        for u in range(2):
            i = k * 2 + u
            ap0 = jnp.zeros((LANES,), jnp.float32)
            ap1 = jnp.zeros((LANES,), jnp.float32)
            an0 = jnp.zeros((LANES,), jnp.float32)
            an1 = jnp.zeros((LANES,), jnp.float32)
            for ch in range(D // LANES):
                s = self_v[i, pl.ds(ch * LANES, LANES)]
                p = pos_v[i, pl.ds(ch * LANES, LANES)]
                m = neg_v[i, pl.ds(ch * LANES, LANES)]
                dp = s - p + EPS
                dn = s - m + EPS
                if ch & 1:
                    ap1 = ap1 + dp * dp
                    an1 = an1 + dn * dn
                else:
                    ap0 = ap0 + dp * dp
                    an0 = an0 + dn * dn
            accp_v[i >> 3, pl.ds((i & 7) * LANES, LANES)] = ap0 + ap1
            accn_v[i >> 3, pl.ds((i & 7) * LANES, LANES)] = an0 + an1
        return carry

    cp0.wait()
    cn0.wait()
    lax.fori_loop(0, half // 2, rowpair, 0)
    cp1.wait()
    cn1.wait()
    lax.fori_loop(half // 2, BPW // 2, rowpair, 0)
    pltpu.sync_copy(accp_v, outp_hbm.at[pl.ds(wid * (BPW // 8), BPW // 8)])
    pltpu.sync_copy(accn_v, outn_hbm.at[pl.ds(wid * (BPW // 8), BPW // 8)])


@functools.lru_cache(maxsize=1)
def _sc_gather():
  return pl.kernel(
    _sc_body,
    out_type=[
        jax.ShapeDtypeStruct((N // 8, 128), jnp.float32),
        jax.ShapeDtypeStruct((N // 8, 128), jnp.float32),
    ],
    mesh=plsc.VectorSubcoreMesh(core_axis_name="c", subcore_axis_name="s"),
    scratch_types=[
        pltpu.VMEM((BPW,), jnp.int32),
        pltpu.VMEM((BPW,), jnp.int32),
        pltpu.VMEM((BPW, D), jnp.float32),
        pltpu.VMEM((BPW, D), jnp.float32),
        pltpu.VMEM((BPW, D), jnp.float32),
        pltpu.VMEM((BPW // 8, 128), jnp.float32),
        pltpu.VMEM((BPW // 8, 128), jnp.float32),
        pltpu.SemaphoreType.DMA,
        pltpu.SemaphoreType.DMA,
        pltpu.SemaphoreType.DMA,
        pltpu.SemaphoreType.DMA,
    ],
  )


def _finish_body(d2p_ref, d2n_ref, out_ref):
    kio = lax.broadcasted_iota(jnp.int32, (128, 8), 0)
    gio = lax.broadcasted_iota(jnp.int32, (128, 8), 1)
    gmat = ((kio >> 4) == gio).astype(jnp.float32)
    dims = (((1,), (0,)), ((), ()))
    d2p = lax.dot_general(d2p_ref[:, :], gmat, dims,
                          preferred_element_type=jnp.float32,
                          precision=lax.Precision.HIGHEST)
    d2n = lax.dot_general(d2n_ref[:, :], gmat, dims,
                          preferred_element_type=jnp.float32,
                          precision=lax.Precision.HIGHEST)
    h = jnp.maximum(MARGIN + jnp.sqrt(d2p) - jnp.sqrt(d2n), 0.0)
    out_ref[0, 0] = jnp.sum(h) / N


_finish = pl.pallas_call(
    _finish_body,
    out_specs=pl.BlockSpec(memory_space=pltpu.SMEM),
    out_shape=jax.ShapeDtypeStruct((1, 1), jnp.float32),
)


def kernel(feature, identity):
    ident = identity.astype(jnp.int32)
    fb = feature.astype(jnp.bfloat16)
    idc = ident.reshape(1, N)
    pos2, neg2 = _mine(fb, fb, idc, idc)
    d2p, d2n = _sc_gather()(feature, pos2, neg2)
    return _finish(d2p, d2n)[0, 0]

# --- scband reference (transcript-rebuilt; emitter-appended) ---
"""Pipeline reference for scband-batch-hard-triplet-loss-35914516529588 (READ-ONLY COPY).

The authoritative reference and input builder live on the scoring server;
editing this copy changes nothing except your own understanding.
"""

import jax, jax.numpy as jnp
import numpy as np

MARGIN = 0.2

def setup_inputs(seed: int = 0) -> dict:
    key = jax.random.key(seed)
    k1, k2 = jax.random.split(key)
    feature = jax.random.normal(k1, (4096, 128), dtype=jnp.float32)
    identity = jax.random.randint(k2, (4096,), 0, 64, dtype=jnp.int64)
    return {"feature": feature, "identity": identity}

def reference(feature, identity):
    n = feature.shape[0]
    # pairwise euclidean distance matrix (cdist equivalent)
    sq = jnp.sum(feature * feature, axis=1)
    d2 = sq[:, None] + sq[None, :] - 2.0 * (feature @ feature.T)
    dist = jnp.sqrt(jnp.maximum(d2, 0.0))
    same = identity[:, None] == identity[None, :]
    # hardest positive: zero out different-identity entries, take argmax
    pos_masked = jnp.where(same, dist, 0.0)
    pos_idx = jnp.argmax(pos_masked, axis=1)
    # hardest negative: set same-identity entries to inf, take argmin
    neg_masked = jnp.where(same, jnp.inf, dist)
    neg_idx = jnp.argmin(neg_masked, axis=1)
    # F.pairwise_distance with eps=1e-6 added to the difference
    eps = 1e-6
    diff_pos = feature - feature[pos_idx] + eps
    d_pos = jnp.sqrt(jnp.sum(diff_pos * diff_pos, axis=1))
    diff_neg = feature - feature[neg_idx] + eps
    d_neg = jnp.sqrt(jnp.sum(diff_neg * diff_neg, axis=1))
    loss = jnp.sum(jax.nn.relu(MARGIN + d_pos - d_neg)) / n
    return loss

if __name__ == "__main__":
    import jax
    _d = setup_inputs()
    print(jax.jit(kernel)(*tuple(_d.values())))

</pallas_src>

<mosaic_0001>
#map = affine_map<(d0, d1) -> (0, 0)>
module attributes {stable_mosaic.version = 14 : i64} {
  func.func @_sc_body(%arg0: i32, %arg1: i32, %arg2: memref<4096x128xf32, #tpu.memory_space<hbm>>, %arg3: memref<1x4096xi32, #tpu.memory_space<hbm>>, %arg4: memref<1x4096xi32, #tpu.memory_space<hbm>>, %arg5: memref<512x128xf32, #tpu.memory_space<hbm>>, %arg6: memref<512x128xf32, #tpu.memory_space<hbm>>, %arg7: memref<128xi32, #tpu.memory_space<vmem>>, %arg8: memref<128xi32, #tpu.memory_space<vmem>>, %arg9: memref<128x128xf32, #tpu.memory_space<vmem>>, %arg10: memref<128x128xf32, #tpu.memory_space<vmem>>, %arg11: memref<128x128xf32, #tpu.memory_space<vmem>>, %arg12: memref<16x128xf32, #tpu.memory_space<vmem>>, %arg13: memref<16x128xf32, #tpu.memory_space<vmem>>, %arg14: memref<!tpu.dma_semaphore, #tpu.memory_space<semaphore_mem>>, %arg15: memref<!tpu.dma_semaphore, #tpu.memory_space<semaphore_mem>>, %arg16: memref<!tpu.dma_semaphore, #tpu.memory_space<semaphore_mem>>, %arg17: memref<!tpu.dma_semaphore, #tpu.memory_space<semaphore_mem>>) attributes {dimension_semantics = [#tpu.dimension_semantics<core_parallel>, #tpu.dimension_semantics<subcore_parallel>], iteration_bounds = array<i64: 2, 16>, scalar_prefetch = 0 : i64, scratch_operands = 11 : i64, tpu.core_type = #tpu.core_type<sc_vector_subcore>, window_params = [{transform_indices = #map}, {transform_indices = #map}, {transform_indices = #map}, {transform_indices = #map}, {transform_indices = #map}]} {
    %mul3A = arith.constant 2 : i32
    %mul3A_0 = arith.muli %arg1, %mul3A : i32
    %add3A = arith.addi %mul3A_0, %arg0 : i32
    %mul3A_1 = arith.constant 128 : i32
    %mul3A_2 = arith.muli %add3A, %mul3A_1 : i32
    %run_scoped3A = arith.constant 0 : i32
    "tpu.region"() ({
      %run_scoped3A_81 = tpu.sem_alloc : memref<!tpu.dma_semaphore, #tpu.memory_space<semaphore_mem>>
      %dma_start3A_82 = tpu.memref_slice %arg3[%run_scoped3A, %mul3A_2] : memref<1x4096xi32, #tpu.memory_space<hbm>> -> memref<1x128xi32, #tpu.memory_space<hbm>>
      %dma_start3A_83 = tpu.memref_squeeze %dma_start3A_82 : memref<1x128xi32, #tpu.memory_space<hbm>> -> memref<128xi32, #tpu.memory_space<hbm>>
      %dma_start3A_84 = tpu.memref_slice %arg3[%run_scoped3A, %mul3A_2] : memref<1x4096xi32, #tpu.memory_space<hbm>> -> memref<1x128xi32, #tpu.memory_space<hbm>>
      %dma_start3A_85 = tpu.memref_squeeze %dma_start3A_84 : memref<1x128xi32, #tpu.memory_space<hbm>> -> memref<128xi32, #tpu.memory_space<hbm>>
      tpu.enqueue_dma source(%dma_start3A_85 : memref<128xi32, #tpu.memory_space<hbm>>) target(%arg7 : memref<128xi32, #tpu.memory_space<vmem>>) target_semaphore(%run_scoped3A_81 : memref<!tpu.dma_semaphore, #tpu.memory_space<semaphore_mem>>)
      %dma_wait3A_86 = tpu.memref_slice %arg3[%run_scoped3A, %mul3A_2] : memref<1x4096xi32, #tpu.memory_space<hbm>> -> memref<1x128xi32, #tpu.memory_space<hbm>>
      %dma_wait3A_87 = tpu.memref_squeeze %dma_wait3A_86 : memref<1x128xi32, #tpu.memory_space<hbm>> -> memref<128xi32, #tpu.memory_space<hbm>>
      %dma_wait3A_88 = tpu.memref_slice %arg3[%run_scoped3A, %mul3A_2] : memref<1x4096xi32, #tpu.memory_space<hbm>> -> memref<1x128xi32, #tpu.memory_space<hbm>>
      %dma_wait3A_89 = tpu.memref_squeeze %dma_wait3A_88 : memref<1x128xi32, #tpu.memory_space<hbm>> -> memref<128xi32, #tpu.memory_space<hbm>>
      tpu.wait_dma2 semaphore(%run_scoped3A_81 : memref<!tpu.dma_semaphore, #tpu.memory_space<semaphore_mem>>) src(%dma_wait3A_89 : memref<128xi32, #tpu.memory_space<hbm>>) dst(%arg7 : memref<128xi32, #tpu.memory_space<vmem>>)
      tpu.yield
    }) : () -> ()
    %run_scoped3A_3 = arith.constant 0 : i32
    "tpu.region"() ({
      %run_scoped3A_81 = tpu.sem_alloc : memref<!tpu.dma_semaphore, #tpu.memory_space<semaphore_mem>>
      %dma_start3A_82 = tpu.memref_slice %arg4[%run_scoped3A_3, %mul3A_2] : memref<1x4096xi32, #tpu.memory_space<hbm>> -> memref<1x128xi32, #tpu.memory_space<hbm>>
      %dma_start3A_83 = tpu.memref_squeeze %dma_start3A_82 : memref<1x128xi32, #tpu.memory_space<hbm>> -> memref<128xi32, #tpu.memory_space<hbm>>
      %dma_start3A_84 = tpu.memref_slice %arg4[%run_scoped3A_3, %mul3A_2] : memref<1x4096xi32, #tpu.memory_space<hbm>> -> memref<1x128xi32, #tpu.memory_space<hbm>>
      %dma_start3A_85 = tpu.memref_squeeze %dma_start3A_84 : memref<1x128xi32, #tpu.memory_space<hbm>> -> memref<128xi32, #tpu.memory_space<hbm>>
      tpu.enqueue_dma source(%dma_start3A_85 : memref<128xi32, #tpu.memory_space<hbm>>) target(%arg8 : memref<128xi32, #tpu.memory_space<vmem>>) target_semaphore(%run_scoped3A_81 : memref<!tpu.dma_semaphore, #tpu.memory_space<semaphore_mem>>)
      %dma_wait3A_86 = tpu.memref_slice %arg4[%run_scoped3A_3, %mul3A_2] : memref<1x4096xi32, #tpu.memory_space<hbm>> -> memref<1x128xi32, #tpu.memory_space<hbm>>
      %dma_wait3A_87 = tpu.memref_squeeze %dma_wait3A_86 : memref<1x128xi32, #tpu.memory_space<hbm>> -> memref<128xi32, #tpu.memory_space<hbm>>
      %dma_wait3A_88 = tpu.memref_slice %arg4[%run_scoped3A_3, %mul3A_2] : memref<1x4096xi32, #tpu.memory_space<hbm>> -> memref<1x128xi32, #tpu.memory_space<hbm>>
      %dma_wait3A_89 = tpu.memref_squeeze %dma_wait3A_88 : memref<1x128xi32, #tpu.memory_space<hbm>> -> memref<128xi32, #tpu.memory_space<hbm>>
      tpu.wait_dma2 semaphore(%run_scoped3A_81 : memref<!tpu.dma_semaphore, #tpu.memory_space<semaphore_mem>>) src(%dma_wait3A_89 : memref<128xi32, #tpu.memory_space<hbm>>) dst(%arg8 : memref<128xi32, #tpu.memory_space<vmem>>)
      tpu.yield
    }) : () -> ()
    %dma_start3A = arith.constant 0 : i32
    %dma_start3A_4 = arith.constant 0 : i32
    %dma_start3A_5 = tpu.memref_slice %arg10[%dma_start3A, %dma_start3A_4] : memref<128x128xf32, #tpu.memory_space<vmem>> -> memref<64x128xf32, #tpu.memory_space<vmem>>
    %dma_start3A_6 = arith.constant 0 : i32
    %dma_start3A_7 = tpu.memref_slice %arg7[%dma_start3A_6] : memref<128xi32, #tpu.memory_space<vmem>> -> memref<64xi32, #tpu.memory_space<vmem>>
    %dma_start3A_8 = arith.constant 0 : i32
    %dma_start3A_9 = arith.constant 0 : i32
    %dma_start3A_10 = tpu.memref_slice %arg2[%dma_start3A_8, %dma_start3A_9] : memref<4096x128xf32, #tpu.memory_space<hbm>> -> memref<4096x128xf32, #tpu.memory_space<hbm>>
    tpu.enqueue_indirect_dma source(%dma_start3A_10 : memref<4096x128xf32, #tpu.memory_space<hbm>>) target(%dma_start3A_5 : memref<64x128xf32, #tpu.memory_space<vmem>>) offsets(%dma_start3A_7 : memref<64xi32, #tpu.memory_space<vmem>>) semaphore(%arg14 : memref<!tpu.dma_semaphore, #tpu.memory_space<semaphore_mem>>)
    %dma_start3A_11 = arith.constant 0 : i32
    %dma_start3A_12 = arith.constant 0 : i32
    %dma_start3A_13 = tpu.memref_slice %arg11[%dma_start3A_11, %dma_start3A_12] : memref<128x128xf32, #tpu.memory_space<vmem>> -> memref<64x128xf32, #tpu.memory_space<vmem>>
    %dma_start3A_14 = arith.constant 0 : i32
    %dma_start3A_15 = tpu.memref_slice %arg8[%dma_start3A_14] : memref<128xi32, #tpu.memory_space<vmem>> -> memref<64xi32, #tpu.memory_space<vmem>>
    %dma_start3A_16 = arith.constant 0 : i32
    %dma_start3A_17 = arith.constant 0 : i32
    %dma_start3A_18 = tpu.memref_slice %arg2[%dma_start3A_16, %dma_start3A_17] : memref<4096x128xf32, #tpu.memory_space<hbm>> -> memref<4096x128xf32, #tpu.memory_space<hbm>>
    tpu.enqueue_indirect_dma source(%dma_start3A_18 : memref<4096x128xf32, #tpu.memory_space<hbm>>) target(%dma_start3A_13 : memref<64x128xf32, #tpu.memory_space<vmem>>) offsets(%dma_start3A_15 : memref<64xi32, #tpu.memory_space<vmem>>) semaphore(%arg15 : memref<!tpu.dma_semaphore, #tpu.memory_space<semaphore_mem>>)
    %dma_start3A_19 = arith.constant 64 : i32
    %dma_start3A_20 = arith.constant 0 : i32
    %dma_start3A_21 = tpu.memref_slice %arg10[%dma_start3A_19, %dma_start3A_20] : memref<128x128xf32, #tpu.memory_space<vmem>> -> memref<64x128xf32, #tpu.memory_space<vmem>>
    %dma_start3A_22 = arith.constant 64 : i32
    %dma_start3A_23 = tpu.memref_slice %arg7[%dma_start3A_22] : memref<128xi32, #tpu.memory_space<vmem>> -> memref<64xi32, #tpu.memory_space<vmem>>
    %dma_start3A_24 = arith.constant 0 : i32
    %dma_start3A_25 = arith.constant 0 : i32
    %dma_start3A_26 = tpu.memref_slice %arg2[%dma_start3A_24, %dma_start3A_25] : memref<4096x128xf32, #tpu.memory_space<hbm>> -> memref<4096x128xf32, #tpu.memory_space<hbm>>
    tpu.enqueue_indirect_dma source(%dma_start3A_26 : memref<4096x128xf32, #tpu.memory_space<hbm>>) target(%dma_start3A_21 : memref<64x128xf32, #tpu.memory_space<vmem>>) offsets(%dma_start3A_23 : memref<64xi32, #tpu.memory_space<vmem>>) semaphore(%arg16 : memref<!tpu.dma_semaphore, #tpu.memory_space<semaphore_mem>>)
    %dma_start3A_27 = arith.constant 64 : i32
    %dma_start3A_28 = arith.constant 0 : i32
    %dma_start3A_29 = tpu.memref_slice %arg11[%dma_start3A_27, %dma_start3A_28] : memref<128x128xf32, #tpu.memory_space<vmem>> -> memref<64x128xf32, #tpu.memory_space<vmem>>
    %dma_start3A_30 = arith.constant 64 : i32
    %dma_start3A_31 = tpu.memref_slice %arg8[%dma_start3A_30] : memref<128xi32, #tpu.memory_space<vmem>> -> memref<64xi32, #tpu.memory_space<vmem>>
    %dma_start3A_32 = arith.constant 0 : i32
    %dma_start3A_33 = arith.constant 0 : i32
    %dma_start3A_34 = tpu.memref_slice %arg2[%dma_start3A_32, %dma_start3A_33] : memref<4096x128xf32, #tpu.memory_space<hbm>> -> memref<4096x128xf32, #tpu.memory_space<hbm>>
    tpu.enqueue_indirect_dma source(%dma_start3A_34 : memref<4096x128xf32, #tpu.memory_space<hbm>>) target(%dma_start3A_29 : memref<64x128xf32, #tpu.memory_space<vmem>>) offsets(%dma_start3A_31 : memref<64xi32, #tpu.memory_space<vmem>>) semaphore(%arg17 : memref<!tpu.dma_semaphore, #tpu.memory_space<semaphore_mem>>)
    "tpu.region"() ({
      %run_scoped3A_81 = tpu.sem_alloc : memref<!tpu.dma_semaphore, #tpu.memory_space<semaphore_mem>>
      %dma_start3A_82 = arith.constant 0 : i32
      %dma_start3A_83 = tpu.memref_slice %arg2[%mul3A_2, %dma_start3A_82] : memref<4096x128xf32, #tpu.memory_space<hbm>> -> memref<128x128xf32, #tpu.memory_space<hbm>>
      %dma_start3A_84 = arith.constant 0 : i32
      %dma_start3A_85 = tpu.memref_slice %arg2[%mul3A_2, %dma_start3A_84] : memref<4096x128xf32, #tpu.memory_space<hbm>> -> memref<128x128xf32, #tpu.memory_space<hbm>>
      tpu.enqueue_dma source(%dma_start3A_85 : memref<128x128xf32, #tpu.memory_space<hbm>>) target(%arg9 : memref<128x128xf32, #tpu.memory_space<vmem>>) target_semaphore(%run_scoped3A_81 : memref<!tpu.dma_semaphore, #tpu.memory_space<semaphore_mem>>)
      %dma_wait3A_86 = arith.constant 0 : i32
      %dma_wait3A_87 = tpu.memref_slice %arg2[%mul3A_2, %dma_wait3A_86] : memref<4096x128xf32, #tpu.memory_space<hbm>> -> memref<128x128xf32, #tpu.memory_space<hbm>>
      %dma_wait3A_88 = arith.constant 0 : i32
      %dma_wait3A_89 = tpu.memref_slice %arg2[%mul3A_2, %dma_wait3A_88] : memref<4096x128xf32, #tpu.memory_space<hbm>> -> memref<128x128xf32, #tpu.memory_space<hbm>>
      tpu.wait_dma2 semaphore(%run_scoped3A_81 : memref<!tpu.dma_semaphore, #tpu.memory_space<semaphore_mem>>) src(%dma_wait3A_89 : memref<128x128xf32, #tpu.memory_space<hbm>>) dst(%arg9 : memref<128x128xf32, #tpu.memory_space<vmem>>)
      tpu.yield
    }) : () -> ()
    %dma_wait3A = arith.constant 0 : i32
    %dma_wait3A_35 = arith.constant 0 : i32
    %dma_wait3A_36 = tpu.memref_slice %arg10[%dma_wait3A, %dma_wait3A_35] : memref<128x128xf32, #tpu.memory_space<vmem>> -> memref<64x128xf32, #tpu.memory_space<vmem>>
    %dma_wait3A_37 = arith.constant 0 : i32
    %dma_wait3A_38 = tpu.memref_slice %arg7[%dma_wait3A_37] : memref<128xi32, #tpu.memory_space<vmem>> -> memref<64xi32, #tpu.memory_space<vmem>>
    %dma_wait3A_39 = arith.constant 0 : i32
    %dma_wait3A_40 = arith.constant 0 : i32
    %dma_wait3A_41 = tpu.memref_slice %arg2[%dma_wait3A_39, %dma_wait3A_40] : memref<4096x128xf32, #tpu.memory_space<hbm>> -> memref<4096x128xf32, #tpu.memory_space<hbm>>
    tpu.wait_indirect_dma semaphore(%arg14 : memref<!tpu.dma_semaphore, #tpu.memory_space<semaphore_mem>>) src(%dma_wait3A_41 : memref<4096x128xf32, #tpu.memory_space<hbm>>) dst(%dma_wait3A_36 : memref<64x128xf32, #tpu.memory_space<vmem>>)
    %dma_wait3A_42 = arith.constant 0 : i32
    %dma_wait3A_43 = arith.constant 0 : i32
    %dma_wait3A_44 = tpu.memref_slice %arg11[%dma_wait3A_42, %dma_wait3A_43] : memref<128x128xf32, #tpu.memory_space<vmem>> -> memref<64x128xf32, #tpu.memory_space<vmem>>
    %dma_wait3A_45 = arith.constant 0 : i32
    %dma_wait3A_46 = tpu.memref_slice %arg8[%dma_wait3A_45] : memref<128xi32, #tpu.memory_space<vmem>> -> memref<64xi32, #tpu.memory_space<vmem>>
    %dma_wait3A_47 = arith.constant 0 : i32
    %dma_wait3A_48 = arith.constant 0 : i32
    %dma_wait3A_49 = tpu.memref_slice %arg2[%dma_wait3A_47, %dma_wait3A_48] : memref<4096x128xf32, #tpu.memory_space<hbm>> -> memref<4096x128xf32, #tpu.memory_space<hbm>>
    tpu.wait_indirect_dma semaphore(%arg15 : memref<!tpu.dma_semaphore, #tpu.memory_space<semaphore_mem>>) src(%dma_wait3A_49 : memref<4096x128xf32, #tpu.memory_space<hbm>>) dst(%dma_wait3A_44 : memref<64x128xf32, #tpu.memory_space<vmem>>)
    %scan3A = arith.constant 0 : i32
    %scan3A_50 = arith.constant 0 : i32
    %scan3A_51 = arith.constant 32 : i32
    %scan3A_52 = arith.addi %scan3A_50, %scan3A_51 : i32
    %scan3A_53 = arith.constant 1 : i32
    scf.for %scan3A_81 = %scan3A_50 to %scan3A_52 step %scan3A_53  : i32 {
      %mul3A_82 = arith.constant 2 : i32
      %mul3A_83 = arith.muli %scan3A_81, %mul3A_82 : i32
      %add3A_84 = arith.constant 0 : i32
      %add3A_85 = arith.addi %mul3A_83, %add3A_84 : i32
      %broadcast_in_dim3A = arith.constant 0.000000e+00 : f32
      %broadcast_in_dim3A_86 = vector.broadcast %broadcast_in_dim3A : f32 to vector<16xf32>
      %broadcast_in_dim3A_87 = arith.constant 0.000000e+00 : f32
      %broadcast_in_dim3A_88 = vector.broadcast %broadcast_in_dim3A_87 : f32 to vector<16xf32>
      %broadcast_in_dim3A_89 = arith.constant 0.000000e+00 : f32
      %broadcast_in_dim3A_90 = vector.broadcast %broadcast_in_dim3A_89 : f32 to vector<16xf32>
      %broadcast_in_dim3A_91 = arith.constant 0.000000e+00 : f32
      %broadcast_in_dim3A_92 = vector.broadcast %broadcast_in_dim3A_91 : f32 to vector<16xf32>
      %get3A = arith.index_cast %add3A_85 : i32 to index
      %get3A_93 = arith.constant 0 : index
      %get3A_94 = tpu.vector_load %arg9[%get3A, %get3A_93] {strides = array<i32>} : memref<128x128xf32, #tpu.memory_space<vmem>>, vector<1x16xf32>,
      %get3A_95 = vector.shape_cast %get3A_94 : vector<1x16xf32> to vector<16xf32>
      %get3A_96 = arith.index_cast %add3A_85 : i32 to index
      %get3A_97 = arith.constant 0 : index
      %get3A_98 = tpu.vector_load %arg10[%get3A_96, %get3A_97] {strides = array<i32>} : memref<128x128xf32, #tpu.memory_space<vmem>>, vector<1x16xf32>,
      %get3A_99 = vector.shape_cast %get3A_98 : vector<1x16xf32> to vector<16xf32>
      %get3A_100 = arith.index_cast %add3A_85 : i32 to index
      %get3A_101 = arith.constant 0 : index
      %get3A_102 = tpu.vector_load %arg11[%get3A_100, %get3A_101] {strides = array<i32>} : memref<128x128xf32, #tpu.memory_space<vmem>>, vector<1x16xf32>,
      %get3A_103 = vector.shape_cast %get3A_102 : vector<1x16xf32> to vector<16xf32>
      %sub3A = arith.subf %get3A_95, %get3A_99 : vector<16xf32>
      %add3A_104 = arith.constant 9.99999997E-7 : f32
      %add3A_105 = vector.broadcast %add3A_104 : f32 to vector<16xf32>
      %add3A_106 = arith.addf %sub3A, %add3A_105 : vector<16xf32>
      %sub3A_107 = arith.subf %get3A_95, %get3A_103 : vector<16xf32>
      %add3A_108 = arith.constant 9.99999997E-7 : f32
      %add3A_109 = vector.broadcast %add3A_108 : f32 to vector<16xf32>
      %add3A_110 = arith.addf %sub3A_107, %add3A_109 : vector<16xf32>
      %mul3A_111 = arith.mulf %add3A_106, %add3A_106 : vector<16xf32>
      %add3A_112 = arith.addf %broadcast_in_dim3A_86, %mul3A_111 : vector<16xf32>
      %mul3A_113 = arith.mulf %add3A_110, %add3A_110 : vector<16xf32>
      %add3A_114 = arith.addf %broadcast_in_dim3A_90, %mul3A_113 : vector<16xf32>
      %get3A_115 = arith.index_cast %add3A_85 : i32 to index
      %get3A_116 = arith.constant 16 : index
      %get3A_117 = tpu.vector_load %arg9[%get3A_115, %get3A_116] {strides = array<i32>} : memref<128x128xf32, #tpu.memory_space<vmem>>, vector<1x16xf32>,
      %get3A_118 = vector.shape_cast %get3A_117 : vector<1x16xf32> to vector<16xf32>
      %get3A_119 = arith.index_cast %add3A_85 : i32 to index
      %get3A_120 = arith.constant 16 : index
      %get3A_121 = tpu.vector_load %arg10[%get3A_119, %get3A_120] {strides = array<i32>} : memref<128x128xf32, #tpu.memory_space<vmem>>, vector<1x16xf32>,
      %get3A_122 = vector.shape_cast %get3A_121 : vector<1x16xf32> to vector<16xf32>
      %get3A_123 = arith.index_cast %add3A_85 : i32 to index
      %get3A_124 = arith.constant 16 : index
      %get3A_125 = tpu.vector_load %arg11[%get3A_123, %get3A_124] {strides = array<i32>} : memref<128x128xf32, #tpu.memory_space<vmem>>, vector<1x16xf32>,
      %get3A_126 = vector.shape_cast %get3A_125 : vector<1x16xf32> to vector<16xf32>
      %sub3A_127 = arith.subf %get3A_118, %get3A_122 : vector<16xf32>
      %add3A_128 = arith.constant 9.99999997E-7 : f32
      %add3A_129 = vector.broadcast %add3A_128 : f32 to vector<16xf32>
      %add3A_130 = arith.addf %sub3A_127, %add3A_129 : vector<16xf32>
      %sub3A_131 = arith.subf %get3A_118, %get3A_126 : vector<16xf32>
      %add3A_132 = arith.constant 9.99999997E-7 : f32
      %add3A_133 = vector.broadcast %add3A_132 : f32 to vector<16xf32>
      %add3A_134 = arith.addf %sub3A_131, %add3A_133 : vector<16xf32>
      %mul3A_135 = arith.mulf %add3A_130, %add3A_130 : vector<16xf32>
      %add3A_136 = arith.addf %broadcast_in_dim3A_88, %mul3A_135 : vector<16xf32>
      %mul3A_137 = arith.mulf %add3A_134, %add3A_134 : vector<16xf32>
      %add3A_138 = arith.addf %broadcast_in_dim3A_92, %mul3A_137 : vector<16xf32>
      %get3A_139 = arith.index_cast %add3A_85 : i32 to index
      %get3A_140 = arith.constant 32 : index
      %get3A_141 = tpu.vector_load %arg9[%get3A_139, %get3A_140] {strides = array<i32>} : memref<128x128xf32, #tpu.memory_space<vmem>>, vector<1x16xf32>,
      %get3A_142 = vector.shape_cast %get3A_141 : vector<1x16xf32> to vector<16xf32>
      %get3A_143 = arith.index_cast %add3A_85 : i32 to index
      %get3A_144 = arith.constant 32 : index
      %get3A_145 = tpu.vector_load %arg10[%get3A_143, %get3A_144] {strides = array<i32>} : memref<128x128xf32, #tpu.memory_space<vmem>>, vector<1x16xf32>,
      %get3A_146 = vector.shape_cast %get3A_145 : vector<1x16xf32> to vector<16xf32>
      %get3A_147 = arith.index_cast %add3A_85 : i32 to index
      %get3A_148 = arith.constant 32 : index
      %get3A_149 = tpu.vector_load %arg11[%get3A_147, %get3A_148] {strides = array<i32>} : memref<128x128xf32, #tpu.memory_space<vmem>>, vector<1x16xf32>,
      %get3A_150 = vector.shape_cast %get3A_149 : vector<1x16xf32> to vector<16xf32>
      %sub3A_151 = arith.subf %get3A_142, %get3A_146 : vector<16xf32>
      %add3A_152 = arith.constant 9.99999997E-7 : f32
      %add3A_153 = vector.broadcast %add3A_152 : f32 to vector<16xf32>
      %add3A_154 = arith.addf %sub3A_151, %add3A_153 : vector<16xf32>
      %sub3A_155 = arith.subf %get3A_142, %get3A_150 : vector<16xf32>
      %add3A_156 = arith.constant 9.99999997E-7 : f32
      %add3A_157 = vector.broadcast %add3A_156 : f32 to vector<16xf32>
      %add3A_158 = arith.addf %sub3A_155, %add3A_157 : vector<16xf32>
      %mul3A_159 = arith.mulf %add3A_154, %add3A_154 : vector<16xf32>
      %add3A_160 = arith.addf %add3A_112, %mul3A_159 : vector<16xf32>
      %mul3A_161 = arith.mulf %add3A_158, %add3A_158 : vector<16xf32>
      %add3A_162 = arith.addf %add3A_114, %mul3A_161 : vector<16xf32>
      %get3A_163 = arith.index_cast %add3A_85 : i32 to index
      %get3A_164 = arith.constant 48 : index
      %get3A_165 = tpu.vector_load %arg9[%get3A_163, %get3A_164] {strides = array<i32>} : memref<128x128xf32, #tpu.memory_space<vmem>>, vector<1x16xf32>,
      %get3A_166 = vector.shape_cast %get3A_165 : vector<1x16xf32> to vector<16xf32>
      %get3A_167 = arith.index_cast %add3A_85 : i32 to index
      %get3A_168 = arith.constant 48 : index
      %get3A_169 = tpu.vector_load %arg10[%get3A_167, %get3A_168] {strides = array<i32>} : memref<128x128xf32, #tpu.memory_space<vmem>>, vector<1x16xf32>,
      %get3A_170 = vector.shape_cast %get3A_169 : vector<1x16xf32> to vector<16xf32>
      %get3A_171 = arith.index_cast %add3A_85 : i32 to index
      %get3A_172 = arith.constant 48 : index
      %get3A_173 = tpu.vector_load %arg11[%get3A_171, %get3A_172] {strides = array<i32>} : memref<128x128xf32, #tpu.memory_space<vmem>>, vector<1x16xf32>,
      %get3A_174 = vector.shape_cast %get3A_173 : vector<1x16xf32> to vector<16xf32>
      %sub3A_175 = arith.subf %get3A_166, %get3A_170 : vector<16xf32>
      %add3A_176 = arith.constant 9.99999997E-7 : f32
      %add3A_177 = vector.broadcast %add3A_176 : f32 to vector<16xf32>
      %add3A_178 = arith.addf %sub3A_175, %add3A_177 : vector<16xf32>
      %sub3A_179 = arith.subf %get3A_166, %get3A_174 : vector<16xf32>
      %add3A_180 = arith.constant 9.99999997E-7 : f32
      %add3A_181 = vector.broadcast %add3A_180 : f32 to vector<16xf32>
      %add3A_182 = arith.addf %sub3A_179, %add3A_181 : vector<16xf32>
      %mul3A_183 = arith.mulf %add3A_178, %add3A_178 : vector<16xf32>
      %add3A_184 = arith.addf %add3A_136, %mul3A_183 : vector<16xf32>
      %mul3A_185 = arith.mulf %add3A_182, %add3A_182 : vector<16xf32>
      %add3A_186 = arith.addf %add3A_138, %mul3A_185 : vector<16xf32>
      %get3A_187 = arith.index_cast %add3A_85 : i32 to index
      %get3A_188 = arith.constant 64 : index
      %get3A_189 = tpu.vector_load %arg9[%get3A_187, %get3A_188] {strides = array<i32>} : memref<128x128xf32, #tpu.memory_space<vmem>>, vector<1x16xf32>,
      %get3A_190 = vector.shape_cast %get3A_189 : vector<1x16xf32> to vector<16xf32>
      %get3A_191 = arith.index_cast %add3A_85 : i32 to index
      %get3A_192 = arith.constant 64 : index
      %get3A_193 = tpu.vector_load %arg10[%get3A_191, %get3A_192] {strides = array<i32>} : memref<128x128xf32, #tpu.memory_space<vmem>>, vector<1x16xf32>,
      %get3A_194 = vector.shape_cast %get3A_193 : vector<1x16xf32> to vector<16xf32>
      %get3A_195 = arith.index_cast %add3A_85 : i32 to index
      %get3A_196 = arith.constant 64 : index
      %get3A_197 = tpu.vector_load %arg11[%get3A_195, %get3A_196] {strides = array<i32>} : memref<128x128xf32, #tpu.memory_space<vmem>>, vector<1x16xf32>,
      %get3A_198 = vector.shape_cast %get3A_197 : vector<1x16xf32> to vector<16xf32>
      %sub3A_199 = arith.subf %get3A_190, %get3A_194 : vector<16xf32>
      %add3A_200 = arith.constant 9.99999997E-7 : f32
      %add3A_201 = vector.broadcast %add3A_200 : f32 to vector<16xf32>
      %add3A_202 = arith.addf %sub3A_199, %add3A_201 : vector<16xf32>
      %sub3A_203 = arith.subf %get3A_190, %get3A_198 : vector<16xf32>
      %add3A_204 = arith.constant 9.99999997E-7 : f32
      %add3A_205 = vector.broadcast %add3A_204 : f32 to vector<16xf32>
      %add3A_206 = arith.addf %sub3A_203, %add3A_205 : vector<16xf32>
      %mul3A_207 = arith.mulf %add3A_202, %add3A_202 : vector<16xf32>
      %add3A_208 = arith.addf %add3A_160, %mul3A_207 : vector<16xf32>
      %mul3A_209 = arith.mulf %add3A_206, %add3A_206 : vector<16xf32>
      %add3A_210 = arith.addf %add3A_162, %mul3A_209 : vector<16xf32>
      %get3A_211 = arith.index_cast %add3A_85 : i32 to index
      %get3A_212 = arith.constant 80 : index
      %get3A_213 = tpu.vector_load %arg9[%get3A_211, %get3A_212] {strides = array<i32>} : memref<128x128xf32, #tpu.memory_space<vmem>>, vector<1x16xf32>,
      %get3A_214 = vector.shape_cast %get3A_213 : vector<1x16xf32> to vector<16xf32>
      %get3A_215 = arith.index_cast %add3A_85 : i32 to index
      %get3A_216 = arith.constant 80 : index
      %get3A_217 = tpu.vector_load %arg10[%get3A_215, %get3A_216] {strides = array<i32>} : memref<128x128xf32, #tpu.memory_space<vmem>>, vector<1x16xf32>,
      %get3A_218 = vector.shape_cast %get3A_217 : vector<1x16xf32> to vector<16xf32>
      %get3A_219 = arith.index_cast %add3A_85 : i32 to index
      %get3A_220 = arith.constant 80 : index
      %get3A_221 = tpu.vector_load %arg11[%get3A_219, %get3A_220] {strides = array<i32>} : memref<128x128xf32, #tpu.memory_space<vmem>>, vector<1x16xf32>,
      %get3A_222 = vector.shape_cast %get3A_221 : vector<1x16xf32> to vector<16xf32>
      %sub3A_223 = arith.subf %get3A_214, %get3A_218 : vector<16xf32>
      %add3A_224 = arith.constant 9.99999997E-7 : f32
      %add3A_225 = vector.broadcast %add3A_224 : f32 to vector<16xf32>
      %add3A_226 = arith.addf %sub3A_223, %add3A_225 : vector<16xf32>
      %sub3A_227 = arith.subf %get3A_214, %get3A_222 : vector<16xf32>
      %add3A_228 = arith.constant 9.99999997E-7 : f32
      %add3A_229 = vector.broadcast %add3A_228 : f32 to vector<16xf32>
      %add3A_230 = arith.addf %sub3A_227, %add3A_229 : vector<16xf32>
      %mul3A_231 = arith.mulf %add3A_226, %add3A_226 : vector<16xf32>
      %add3A_232 = arith.addf %add3A_184, %mul3A_231 : vector<16xf32>
      %mul3A_233 = arith.mulf %add3A_230, %add3A_230 : vector<16xf32>
      %add3A_234 = arith.addf %add3A_186, %mul3A_233 : vector<16xf32>
      %get3A_235 = arith.index_cast %add3A_85 : i32 to index
      %get3A_236 = arith.constant 96 : index
      %get3A_237 = tpu.vector_load %arg9[%get3A_235, %get3A_236] {strides = array<i32>} : memref<128x128xf32, #tpu.memory_space<vmem>>, vector<1x16xf32>,
      %get3A_238 = vector.shape_cast %get3A_237 : vector<1x16xf32> to vector<16xf32>
      %get3A_239 = arith.index_cast %add3A_85 : i32 to index
      %get3A_240 = arith.constant 96 : index
      %get3A_241 = tpu.vector_load %arg10[%get3A_239, %get3A_240] {strides = array<i32>} : memref<128x128xf32, #tpu.memory_space<vmem>>, vector<1x16xf32>,
      %get3A_242 = vector.shape_cast %get3A_241 : vector<1x16xf32> to vector<16xf32>
      %get3A_243 = arith.index_cast %add3A_85 : i32 to index
      %get3A_244 = arith.constant 96 : index
      %get3A_245 = tpu.vector_load %arg11[%get3A_243, %get3A_244] {strides = array<i32>} : memref<128x128xf32, #tpu.memory_space<vmem>>, vector<1x16xf32>,
      %get3A_246 = vector.shape_cast %get3A_245 : vector<1x16xf32> to vector<16xf32>
      %sub3A_247 = arith.subf %get3A_238, %get3A_242 : vector<16xf32>
      %add3A_248 = arith.constant 9.99999997E-7 : f32
      %add3A_249 = vector.broadcast %add3A_248 : f32 to vector<16xf32>
      %add3A_250 = arith.addf %sub3A_247, %add3A_249 : vector<16xf32>
      %sub3A_251 = arith.subf %get3A_238, %get3A_246 : vector<16xf32>
      %add3A_252 = arith.constant 9.99999997E-7 : f32
      %add3A_253 = vector.broadcast %add3A_252 : f32 to vector<16xf32>
      %add3A_254 = arith.addf %sub3A_251, %add3A_253 : vector<16xf32>
      %mul3A_255 = arith.mulf %add3A_250, %add3A_250 : vector<16xf32>
      %add3A_256 = arith.addf %add3A_208, %mul3A_255 : vector<16xf32>
      %mul3A_257 = arith.mulf %add3A_254, %add3A_254 : vector<16xf32>
      %add3A_258 = arith.addf %add3A_210, %mul3A_257 : vector<16xf32>
      %get3A_259 = arith.index_cast %add3A_85 : i32 to index
      %get3A_260 = arith.constant 112 : index
      %get3A_261 = tpu.vector_load %arg9[%get3A_259, %get3A_260] {strides = array<i32>} : memref<128x128xf32, #tpu.memory_space<vmem>>, vector<1x16xf32>,
      %get3A_262 = vector.shape_cast %get3A_261 : vector<1x16xf32> to vector<16xf32>
      %get3A_263 = arith.index_cast %add3A_85 : i32 to index
      %get3A_264 = arith.constant 112 : index
      %get3A_265 = tpu.vector_load %arg10[%get3A_263, %get3A_264] {strides = array<i32>} : memref<128x128xf32, #tpu.memory_space<vmem>>, vector<1x16xf32>,
      %get3A_266 = vector.shape_cast %get3A_265 : vector<1x16xf32> to vector<16xf32>
      %get3A_267 = arith.index_cast %add3A_85 : i32 to index
      %get3A_268 = arith.constant 112 : index
      %get3A_269 = tpu.vector_load %arg11[%get3A_267, %get3A_268] {strides = array<i32>} : memref<128x128xf32, #tpu.memory_space<vmem>>, vector<1x16xf32>,
      %get3A_270 = vector.shape_cast %get3A_269 : vector<1x16xf32> to vector<16xf32>
      %sub3A_271 = arith.subf %get3A_262, %get3A_266 : vector<16xf32>
      %add3A_272 = arith.constant 9.99999997E-7 : f32
      %add3A_273 = vector.broadcast %add3A_272 : f32 to vector<16xf32>
      %add3A_274 = arith.addf %sub3A_271, %add3A_273 : vector<16xf32>
      %sub3A_275 = arith.subf %get3A_262, %get3A_270 : vector<16xf32>
      %add3A_276 = arith.constant 9.99999997E-7 : f32
      %add3A_277 = vector.broadcast %add3A_276 : f32 to vector<16xf32>
      %add3A_278 = arith.addf %sub3A_275, %add3A_277 : vector<16xf32>
      %mul3A_279 = arith.mulf %add3A_274, %add3A_274 : vector<16xf32>
      %add3A_280 = arith.addf %add3A_232, %mul3A_279 : vector<16xf32>
      %mul3A_281 = arith.mulf %add3A_278, %add3A_278 : vector<16xf32>
      %add3A_282 = arith.addf %add3A_234, %mul3A_281 : vector<16xf32>
      %add3A_283 = arith.addf %add3A_256, %add3A_280 : vector<16xf32>
      %shift_right_arithmetic3A = arith.constant 3 : i32
      %shift_right_arithmetic3A_284 = arith.shrsi %add3A_85, %shift_right_arithmetic3A : i32
      %and3A = arith.constant 7 : i32
      %and3A_285 = arith.andi %add3A_85, %and3A : i32
      %mul3A_286 = arith.constant 16 : i32
      %mul3A_287 = arith.muli %and3A_285, %mul3A_286 : i32
      %swap3A = arith.index_cast %shift_right_arithmetic3A_284 : i32 to index
      %swap3A_288 = arith.index_cast %mul3A_287 : i32 to index
      %swap3A_289 = tpu.vector_load %arg12[%swap3A, %swap3A_288] {strides = array<i32>} : memref<16x128xf32, #tpu.memory_space<vmem>>, vector<1x16xf32>,
      %swap3A_290 = vector.shape_cast %swap3A_289 : vector<1x16xf32> to vector<16xf32>
      %swap3A_291 = vector.shape_cast %add3A_283 : vector<16xf32> to vector<1x16xf32>
      tpu.vector_store %arg12[%swap3A, %swap3A_288], %swap3A_291 {strides = array<i32>} : memref<16x128xf32, #tpu.memory_space<vmem>>, vector<1x16xf32>,
      %add3A_292 = arith.addf %add3A_258, %add3A_282 : vector<16xf32>
      %shift_right_arithmetic3A_293 = arith.constant 3 : i32
      %shift_right_arithmetic3A_294 = arith.shrsi %add3A_85, %shift_right_arithmetic3A_293 : i32
      %and3A_295 = arith.constant 7 : i32
      %and3A_296 = arith.andi %add3A_85, %and3A_295 : i32
      %mul3A_297 = arith.constant 16 : i32
      %mul3A_298 = arith.muli %and3A_296, %mul3A_297 : i32
      %swap3A_299 = arith.index_cast %shift_right_arithmetic3A_294 : i32 to index
      %swap3A_300 = arith.index_cast %mul3A_298 : i32 to index
      %swap3A_301 = tpu.vector_load %arg13[%swap3A_299, %swap3A_300] {strides = array<i32>} : memref<16x128xf32, #tpu.memory_space<vmem>>, vector<1x16xf32>,
      %swap3A_302 = vector.shape_cast %swap3A_301 : vector<1x16xf32> to vector<16xf32>
      %swap3A_303 = vector.shape_cast %add3A_292 : vector<16xf32> to vector<1x16xf32>
      tpu.vector_store %arg13[%swap3A_299, %swap3A_300], %swap3A_303 {strides = array<i32>} : memref<16x128xf32, #tpu.memory_space<vmem>>, vector<1x16xf32>,
      %mul3A_304 = arith.constant 2 : i32
      %mul3A_305 = arith.muli %scan3A_81, %mul3A_304 : i32
      %add3A_306 = arith.constant 1 : i32
      %add3A_307 = arith.addi %mul3A_305, %add3A_306 : i32
      %broadcast_in_dim3A_308 = arith.constant 0.000000e+00 : f32
      %broadcast_in_dim3A_309 = vector.broadcast %broadcast_in_dim3A_308 : f32 to vector<16xf32>
      %broadcast_in_dim3A_310 = arith.constant 0.000000e+00 : f32
      %broadcast_in_dim3A_311 = vector.broadcast %broadcast_in_dim3A_310 : f32 to vector<16xf32>
      %broadcast_in_dim3A_312 = arith.constant 0.000000e+00 : f32
      %broadcast_in_dim3A_313 = vector.broadcast %broadcast_in_dim3A_312 : f32 to vector<16xf32>
      %broadcast_in_dim3A_314 = arith.constant 0.000000e+00 : f32
      %broadcast_in_dim3A_315 = vector.broadcast %broadcast_in_dim3A_314 : f32 to vector<16xf32>
      %get3A_316 = arith.index_cast %add3A_307 : i32 to index
      %get3A_317 = arith.constant 0 : index
      %get3A_318 = tpu.vector_load %arg9[%get3A_316, %get3A_317] {strides = array<i32>} : memref<128x128xf32, #tpu.memory_space<vmem>>, vector<1x16xf32>,
      %get3A_319 = vector.shape_cast %get3A_318 : vector<1x16xf32> to vector<16xf32>
      %get3A_320 = arith.index_cast %add3A_307 : i32 to index
      %get3A_321 = arith.constant 0 : index
      %get3A_322 = tpu.vector_load %arg10[%get3A_320, %get3A_321] {strides = array<i32>} : memref<128x128xf32, #tpu.memory_space<vmem>>, vector<1x16xf32>,
      %get3A_323 = vector.shape_cast %get3A_322 : vector<1x16xf32> to vector<16xf32>
      %get3A_324 = arith.index_cast %add3A_307 : i32 to index
      %get3A_325 = arith.constant 0 : index
      %get3A_326 = tpu.vector_load %arg11[%get3A_324, %get3A_325] {strides = array<i32>} : memref<128x128xf32, #tpu.memory_space<vmem>>, vector<1x16xf32>,
      %get3A_327 = vector.shape_cast %get3A_326 : vector<1x16xf32> to vector<16xf32>
      %sub3A_328 = arith.subf %get3A_319, %get3A_323 : vector<16xf32>
      %add3A_329 = arith.constant 9.99999997E-7 : f32
      %add3A_330 = vector.broadcast %add3A_329 : f32 to vector<16xf32>
      %add3A_331 = arith.addf %sub3A_328, %add3A_330 : vector<16xf32>
      %sub3A_332 = arith.subf %get3A_319, %get3A_327 : vector<16xf32>
      %add3A_333 = arith.constant 9.99999997E-7 : f32
      %add3A_334 = vector.broadcast %add3A_333 : f32 to vector<16xf32>
      %add3A_335 = arith.addf %sub3A_332, %add3A_334 : vector<16xf32>
      %mul3A_336 = arith.mulf %add3A_331, %add3A_331 : vector<16xf32>
      %add3A_337 = arith.addf %broadcast_in_dim3A_309, %mul3A_336 : vector<16xf32>
      %mul3A_338 = arith.mulf %add3A_335, %add3A_335 : vector<16xf32>
      %add3A_339 = arith.addf %broadcast_in_dim3A_313, %mul3A_338 : vector<16xf32>
      %get3A_340 = arith.index_cast %add3A_307 : i32 to index
      %get3A_341 = arith.constant 16 : index
      %get3A_342 = tpu.vector_load %arg9[%get3A_340, %get3A_341] {strides = array<i32>} : memref<128x128xf32, #tpu.memory_space<vmem>>, vector<1x16xf32>,
      %get3A_343 = vector.shape_cast %get3A_342 : vector<1x16xf32> to vector<16xf32>
      %get3A_344 = arith.index_cast %add3A_307 : i32 to index
      %get3A_345 = arith.constant 16 : index
      %get3A_346 = tpu.vector_load %arg10[%get3A_344, %get3A_345] {strides = array<i32>} : memref<128x128xf32, #tpu.memory_space<vmem>>, vector<1x16xf32>,
      %get3A_347 = vector.shape_cast %get3A_346 : vector<1x16xf32> to vector<16xf32>
      %get3A_348 = arith.index_cast %add3A_307 : i32 to index
      %get3A_349 = arith.constant 16 : index
      %get3A_350 = tpu.vector_load %arg11[%get3A_348, %get3A_349] {strides = array<i32>} : memref<128x128xf32, #tpu.memory_space<vmem>>, vector<1x16xf32>,
      %get3A_351 = vector.shape_cast %get3A_350 : vector<1x16xf32> to vector<16xf32>
      %sub3A_352 = arith.subf %get3A_343, %get3A_347 : vector<16xf32>
      %add3A_353 = arith.constant 9.99999997E-7 : f32
      %add3A_354 = vector.broadcast %add3A_353 : f32 to vector<16xf32>
      %add3A_355 = arith.addf %sub3A_352, %add3A_354 : vector<16xf32>
      %sub3A_356 = arith.subf %get3A_343, %get3A_351 : vector<16xf32>
      %add3A_357 = arith.constant 9.99999997E-7 : f32
      %add3A_358 = vector.broadcast %add3A_357 : f32 to vector<16xf32>
      %add3A_359 = arith.addf %sub3A_356, %add3A_358 : vector<16xf32>
      %mul3A_360 = arith.mulf %add3A_355, %add3A_355 : vector<16xf32>
      %add3A_361 = arith.addf %broadcast_in_dim3A_311, %mul3A_360 : vector<16xf32>
      %mul3A_362 = arith.mulf %add3A_359, %add3A_359 : vector<16xf32>
      %add3A_363 = arith.addf %broadcast_in_dim3A_315, %mul3A_362 : vector<16xf32>
      %get3A_364 = arith.index_cast %add3A_307 : i32 to index
      %get3A_365 = arith.constant 32 : index
      %get3A_366 = tpu.vector_load %arg9[%get3A_364, %get3A_365] {strides = array<i32>} : memref<128x128xf32, #tpu.memory_space<vmem>>, vector<1x16xf32>,
      %get3A_367 = vector.shape_cast %get3A_366 : vector<1x16xf32> to vector<16xf32>
      %get3A_368 = arith.index_cast %add3A_307 : i32 to index
      %get3A_369 = arith.constant 32 : index
      %get3A_370 = tpu.vector_load %arg10[%get3A_368, %get3A_369] {strides = array<i32>} : memref<128x128xf32, #tpu.memory_space<vmem>>, vector<1x16xf32>,
      %get3A_371 = vector.shape_cast %get3A_370 : vector<1x16xf32> to vector<16xf32>
      %get3A_372 = arith.index_cast %add3A_307 : i32 to index
      %get3A_373 = arith.constant 32 : index
      %get3A_374 = tpu.vector_load %arg11[%get3A_372, %get3A_373] {strides = array<i32>} : memref<128x128xf32, #tpu.memory_space<vmem>>, vector<1x16xf32>,
      %get3A_375 = vector.shape_cast %get3A_374 : vector<1x16xf32> to vector<16xf32>
      %sub3A_376 = arith.subf %get3A_367, %get3A_371 : vector<16xf32>
      %add3A_377 = arith.constant 9.99999997E-7 : f32
      %add3A_378 = vector.broadcast %add3A_377 : f32 to vector<16xf32>
      %add3A_379 = arith.addf %sub3A_376, %add3A_378 : vector<16xf32>
      %sub3A_380 = arith.subf %get3A_367, %get3A_375 : vector<16xf32>
      %add3A_381 = arith.constant 9.99999997E-7 : f32
      %add3A_382 = vector.broadcast %add3A_381 : f32 to vector<16xf32>
      %add3A_383 = arith.addf %sub3A_380, %add3A_382 : vector<16xf32>
      %mul3A_384 = arith.mulf %add3A_379, %add3A_379 : vector<16xf32>
      %add3A_385 = arith.addf %add3A_337, %mul3A_384 : vector<16xf32>
      %mul3A_386 = arith.mulf %add3A_383, %add3A_383 : vector<16xf32>
      %add3A_387 = arith.addf %add3A_339, %mul3A_386 : vector<16xf32>
      %get3A_388 = arith.index_cast %add3A_307 : i32 to index
      %get3A_389 = arith.constant 48 : index
      %get3A_390 = tpu.vector_load %arg9[%get3A_388, %get3A_389] {strides = array<i32>} : memref<128x128xf32, #tpu.memory_space<vmem>>, vector<1x16xf32>,
      %get3A_391 = vector.shape_cast %get3A_390 : vector<1x16xf32> to vector<16xf32>
      %get3A_392 = arith.index_cast %add3A_307 : i32 to index
      %get3A_393 = arith.constant 48 : index
      %get3A_394 = tpu.vector_load %arg10[%get3A_392, %get3A_393] {strides = array<i32>} : memref<128x128xf32, #tpu.memory_space<vmem>>, vector<1x16xf32>,
      %get3A_395 = vector.shape_cast %get3A_394 : vector<1x16xf32> to vector<16xf32>
      %get3A_396 = arith.index_cast %add3A_307 : i32 to index
      %get3A_397 = arith.constant 48 : index
      %get3A_398 = tpu.vector_load %arg11[%get3A_396, %get3A_397] {strides = array<i32>} : memref<128x128xf32, #tpu.memory_space<vmem>>, vector<1x16xf32>,
      %get3A_399 = vector.shape_cast %get3A_398 : vector<1x16xf32> to vector<16xf32>
      %sub3A_400 = arith.subf %get3A_391, %get3A_395 : vector<16xf32>
      %add3A_401 = arith.constant 9.99999997E-7 : f32
      %add3A_402 = vector.broadcast %add3A_401 : f32 to vector<16xf32>
      %add3A_403 = arith.addf %sub3A_400, %add3A_402 : vector<16xf32>
      %sub3A_404 = arith.subf %get3A_391, %get3A_399 : vector<16xf32>
      %add3A_405 = arith.constant 9.99999997E-7 : f32
      %add3A_406 = vector.broadcast %add3A_405 : f32 to vector<16xf32>
      %add3A_407 = arith.addf %sub3A_404, %add3A_406 : vector<16xf32>
      %mul3A_408 = arith.mulf %add3A_403, %add3A_403 : vector<16xf32>
      %add3A_409 = arith.addf %add3A_361, %mul3A_408 : vector<16xf32>
      %mul3A_410 = arith.mulf %add3A_407, %add3A_407 : vector<16xf32>
      %add3A_411 = arith.addf %add3A_363, %mul3A_410 : vector<16xf32>
      %get3A_412 = arith.index_cast %add3A_307 : i32 to index
      %get3A_413 = arith.constant 64 : index
      %get3A_414 = tpu.vector_load %arg9[%get3A_412, %get3A_413] {strides = array<i32>} : memref<128x128xf32, #tpu.memory_space<vmem>>, vector<1x16xf32>,
      %get3A_415 = vector.shape_cast %get3A_414 : vector<1x16xf32> to vector<16xf32>
      %get3A_416 = arith.index_cast %add3A_307 : i32 to index
      %get3A_417 = arith.constant 64 : index
      %get3A_418 = tpu.vector_load %arg10[%get3A_416, %get3A_417] {strides = array<i32>} : memref<128x128xf32, #tpu.memory_space<vmem>>, vector<1x16xf32>,
      %get3A_419 = vector.shape_cast %get3A_418 : vector<1x16xf32> to vector<16xf32>
      %get3A_420 = arith.index_cast %add3A_307 : i32 to index
      %get3A_421 = arith.constant 64 : index
      %get3A_422 = tpu.vector_load %arg11[%get3A_420, %get3A_421] {strides = array<i32>} : memref<128x128xf32, #tpu.memory_space<vmem>>, vector<1x16xf32>,
      %get3A_423 = vector.shape_cast %get3A_422 : vector<1x16xf32> to vector<16xf32>
      %sub3A_424 = arith.subf %get3A_415, %get3A_419 : vector<16xf32>
      %add3A_425 = arith.constant 9.99999997E-7 : f32
      %add3A_426 = vector.broadcast %add3A_425 : f32 to vector<16xf32>
      %add3A_427 = arith.addf %sub3A_424, %add3A_426 : vector<16xf32>
      %sub3A_428 = arith.subf %get3A_415, %get3A_423 : vector<16xf32>
      %add3A_429 = arith.constant 9.99999997E-7 : f32
      %add3A_430 = vector.broadcast %add3A_429 : f32 to vector<16xf32>
      %add3A_431 = arith.addf %sub3A_428, %add3A_430 : vector<16xf32>
      %mul3A_432 = arith.mulf %add3A_427, %add3A_427 : vector<16xf32>
      %add3A_433 = arith.addf %add3A_385, %mul3A_432 : vector<16xf32>
      %mul3A_434 = arith.mulf %add3A_431, %add3A_431 : vector<16xf32>
      %add3A_435 = arith.addf %add3A_387, %mul3A_434 : vector<16xf32>
      %get3A_436 = arith.index_cast %add3A_307 : i32 to index
      %get3A_437 = arith.constant 80 : index
      %get3A_438 = tpu.vector_load %arg9[%get3A_436, %get3A_437] {strides = array<i32>} : memref<128x128xf32, #tpu.memory_space<vmem>>, vector<1x16xf32>,
      %get3A_439 = vector.shape_cast %get3A_438 : vector<1x16xf32> to vector<16xf32>
      %get3A_440 = arith.index_cast %add3A_307 : i32 to index
      %get3A_441 = arith.constant 80 : index
      %get3A_442 = tpu.vector_load %arg10[%get3A_440, %get3A_441] {strides = array<i32>} : memref<128x128xf32, #tpu.memory_space<vmem>>, vector<1x16xf32>,
      %get3A_443 = vector.shape_cast %get3A_442 : vector<1x16xf32> to vector<16xf32>
      %get3A_444 = arith.index_cast %add3A_307 : i32 to index
      %get3A_445 = arith.constant 80 : index
      %get3A_446 = tpu.vector_load %arg11[%get3A_444, %get3A_445] {strides = array<i32>} : memref<128x128xf32, #tpu.memory_space<vmem>>, vector<1x16xf32>,
      %get3A_447 = vector.shape_cast %get3A_446 : vector<1x16xf32> to vector<16xf32>
      %sub3A_448 = arith.subf %get3A_439, %get3A_443 : vector<16xf32>
      %add3A_449 = arith.constant 9.99999997E-7 : f32
      %add3A_450 = vector.broadcast %add3A_449 : f32 to vector<16xf32>
      %add3A_451 = arith.addf %sub3A_448, %add3A_450 : vector<16xf32>
      %sub3A_452 = arith.subf %get3A_439, %get3A_447 : vector<16xf32>
      %add3A_453 = arith.constant 9.99999997E-7 : f32
      %add3A_454 = vector.broadcast %add3A_453 : f32 to vector<16xf32>
      %add3A_455 = arith.addf %sub3A_452, %add3A_454 : vector<16xf32>
      %mul3A_456 = arith.mulf %add3A_451, %add3A_451 : vector<16xf32>
      %add3A_457 = arith.addf %add3A_409, %mul3A_456 : vector<16xf32>
      %mul3A_458 = arith.mulf %add3A_455, %add3A_455 : vector<16xf32>
      %add3A_459 = arith.addf %add3A_411, %mul3A_458 : vector<16xf32>
      %get3A_460 = arith.index_cast %add3A_307 : i32 to index
      %get3A_461 = arith.constant 96 : index
      %get3A_462 = tpu.vector_load %arg9[%get3A_460, %get3A_461] {strides = array<i32>} : memref<128x128xf32, #tpu.memory_space<vmem>>, vector<1x16xf32>,
      %get3A_463 = vector.shape_cast %get3A_462 : vector<1x16xf32> to vector<16xf32>
      %get3A_464 = arith.index_cast %add3A_307 : i32 to index
      %get3A_465 = arith.constant 96 : index
      %get3A_466 = tpu.vector_load %arg10[%get3A_464, %get3A_465] {strides = array<i32>} : memref<128x128xf32, #tpu.memory_space<vmem>>, vector<1x16xf32>,
      %get3A_467 = vector.shape_cast %get3A_466 : vector<1x16xf32> to vector<16xf32>
      %get3A_468 = arith.index_cast %add3A_307 : i32 to index
      %get3A_469 = arith.constant 96 : index
      %get3A_470 = tpu.vector_load %arg11[%get3A_468, %get3A_469] {strides = array<i32>} : memref<128x128xf32, #tpu.memory_space<vmem>>, vector<1x16xf32>,
      %get3A_471 = vector.shape_cast %get3A_470 : vector<1x16xf32> to vector<16xf32>
      %sub3A_472 = arith.subf %get3A_463, %get3A_467 : vector<16xf32>
      %add3A_473 = arith.constant 9.99999997E-7 : f32
      %add3A_474 = vector.broadcast %add3A_473 : f32 to vector<16xf32>
      %add3A_475 = arith.addf %sub3A_472, %add3A_474 : vector<16xf32>
      %sub3A_476 = arith.subf %get3A_463, %get3A_471 : vector<16xf32>
      %add3A_477 = arith.constant 9.99999997E-7 : f32
      %add3A_478 = vector.broadcast %add3A_477 : f32 to vector<16xf32>
      %add3A_479 = arith.addf %sub3A_476, %add3A_478 : vector<16xf32>
      %mul3A_480 = arith.mulf %add3A_475, %add3A_475 : vector<16xf32>
      %add3A_481 = arith.addf %add3A_433, %mul3A_480 : vector<16xf32>
      %mul3A_482 = arith.mulf %add3A_479, %add3A_479 : vector<16xf32>
      %add3A_483 = arith.addf %add3A_435, %mul3A_482 : vector<16xf32>
      %get3A_484 = arith.index_cast %add3A_307 : i32 to index
      %get3A_485 = arith.constant 112 : index
      %get3A_486 = tpu.vector_load %arg9[%get3A_484, %get3A_485] {strides = array<i32>} : memref<128x128xf32, #tpu.memory_space<vmem>>, vector<1x16xf32>,
      %get3A_487 = vector.shape_cast %get3A_486 : vector<1x16xf32> to vector<16xf32>
      %get3A_488 = arith.index_cast %add3A_307 : i32 to index
      %get3A_489 = arith.constant 112 : index
      %get3A_490 = tpu.vector_load %arg10[%get3A_488, %get3A_489] {strides = array<i32>} : memref<128x128xf32, #tpu.memory_space<vmem>>, vector<1x16xf32>,
      %get3A_491 = vector.shape_cast %get3A_490 : vector<1x16xf32> to vector<16xf32>
      %get3A_492 = arith.index_cast %add3A_307 : i32 to index
      %get3A_493 = arith.constant 112 : index
      %get3A_494 = tpu.vector_load %arg11[%get3A_492, %get3A_493] {strides = array<i32>} : memref<128x128xf32, #tpu.memory_space<vmem>>, vector<1x16xf32>,
      %get3A_495 = vector.shape_cast %get3A_494 : vector<1x16xf32> to vector<16xf32>
      %sub3A_496 = arith.subf %get3A_487, %get3A_491 : vector<16xf32>
      %add3A_497 = arith.constant 9.99999997E-7 : f32
      %add3A_498 = vector.broadcast %add3A_497 : f32 to vector<16xf32>
      %add3A_499 = arith.addf %sub3A_496, %add3A_498 : vector<16xf32>
      %sub3A_500 = arith.subf %get3A_487, %get3A_495 : vector<16xf32>
      %add3A_501 = arith.constant 9.99999997E-7 : f32
      %add3A_502 = vector.broadcast %add3A_501 : f32 to vector<16xf32>
      %add3A_503 = arith.addf %sub3A_500, %add3A_502 : vector<16xf32>
      %mul3A_504 = arith.mulf %add3A_499, %add3A_499 : vector<16xf32>
      %add3A_505 = arith.addf %add3A_457, %mul3A_504 : vector<16xf32>
      %mul3A_506 = arith.mulf %add3A_503, %add3A_503 : vector<16xf32>
      %add3A_507 = arith.addf %add3A_459, %mul3A_506 : vector<16xf32>
      %add3A_508 = arith.addf %add3A_481, %add3A_505 : vector<16xf32>
      %shift_right_arithmetic3A_509 = arith.constant 3 : i32
      %shift_right_arithmetic3A_510 = arith.shrsi %add3A_307, %shift_right_arithmetic3A_509 : i32
      %and3A_511 = arith.constant 7 : i32
      %and3A_512 = arith.andi %add3A_307, %and3A_511 : i32
      %mul3A_513 = arith.constant 16 : i32
      %mul3A_514 = arith.muli %and3A_512, %mul3A_513 : i32
      %swap3A_515 = arith.index_cast %shift_right_arithmetic3A_510 : i32 to index
      %swap3A_516 = arith.index_cast %mul3A_514 : i32 to index
      %swap3A_517 = tpu.vector_load %arg12[%swap3A_515, %swap3A_516] {strides = array<i32>} : memref<16x128xf32, #tpu.memory_space<vmem>>, vector<1x16xf32>,
      %swap3A_518 = vector.shape_cast %swap3A_517 : vector<1x16xf32> to vector<16xf32>
      %swap3A_519 = vector.shape_cast %add3A_508 : vector<16xf32> to vector<1x16xf32>
      tpu.vector_store %arg12[%swap3A_515, %swap3A_516], %swap3A_519 {strides = array<i32>} : memref<16x128xf32, #tpu.memory_space<vmem>>, vector<1x16xf32>,
      %add3A_520 = arith.addf %add3A_483, %add3A_507 : vector<16xf32>
      %shift_right_arithmetic3A_521 = arith.constant 3 : i32
      %shift_right_arithmetic3A_522 = arith.shrsi %add3A_307, %shift_right_arithmetic3A_521 : i32
      %and3A_523 = arith.constant 7 : i32
      %and3A_524 = arith.andi %add3A_307, %and3A_523 : i32
      %mul3A_525 = arith.constant 16 : i32
      %mul3A_526 = arith.muli %and3A_524, %mul3A_525 : i32
      %swap3A_527 = arith.index_cast %shift_right_arithmetic3A_522 : i32 to index
      %swap3A_528 = arith.index_cast %mul3A_526 : i32 to index
      %swap3A_529 = tpu.vector_load %arg13[%swap3A_527, %swap3A_528] {strides = array<i32>} : memref<16x128xf32, #tpu.memory_space<vmem>>, vector<1x16xf32>,
      %swap3A_530 = vector.shape_cast %swap3A_529 : vector<1x16xf32> to vector<16xf32>
      %swap3A_531 = vector.shape_cast %add3A_520 : vector<16xf32> to vector<1x16xf32>
      tpu.vector_store %arg13[%swap3A_527, %swap3A_528], %swap3A_531 {strides = array<i32>} : memref<16x128xf32, #tpu.memory_space<vmem>>, vector<1x16xf32>,
    }
    %scan3A_54 = arith.constant 32 : i32
    %dma_wait3A_55 = arith.constant 64 : i32
    %dma_wait3A_56 = arith.constant 0 : i32
    %dma_wait3A_57 = tpu.memref_slice %arg10[%dma_wait3A_55, %dma_wait3A_56] : memref<128x128xf32, #tpu.memory_space<vmem>> -> memref<64x128xf32, #tpu.memory_space<vmem>>
    %dma_wait3A_58 = arith.constant 64 : i32
    %dma_wait3A_59 = tpu.memref_slice %arg7[%dma_wait3A_58] : memref<128xi32, #tpu.memory_space<vmem>> -> memref<64xi32, #tpu.memory_space<vmem>>
    %dma_wait3A_60 = arith.constant 0 : i32
    %dma_wait3A_61 = arith.constant 0 : i32
    %dma_wait3A_62 = tpu.memref_slice %arg2[%dma_wait3A_60, %dma_wait3A_61] : memref<4096x128xf32, #tpu.memory_space<hbm>> -> memref<4096x128xf32, #tpu.memory_space<hbm>>
    tpu.wait_indirect_dma semaphore(%arg16 : memref<!tpu.dma_semaphore, #tpu.memory_space<semaphore_mem>>) src(%dma_wait3A_62 : memref<4096x128xf32, #tpu.memory_space<hbm>>) dst(%dma_wait3A_57 : memref<64x128xf32, #tpu.memory_space<vmem>>)
    %dma_wait3A_63 = arith.constant 64 : i32
    %dma_wait3A_64 = arith.constant 0 : i32
    %dma_wait3A_65 = tpu.memref_slice %arg11[%dma_wait3A_63, %dma_wait3A_64] : memref<128x128xf32, #tpu.memory_space<vmem>> -> memref<64x128xf32, #tpu.memory_space<vmem>>
    %dma_wait3A_66 = arith.constant 64 : i32
    %dma_wait3A_67 = tpu.memref_slice %arg8[%dma_wait3A_66] : memref<128xi32, #tpu.memory_space<vmem>> -> memref<64xi32, #tpu.memory_space<vmem>>
    %dma_wait3A_68 = arith.constant 0 : i32
    %dma_wait3A_69 = arith.constant 0 : i32
    %dma_wait3A_70 = tpu.memref_slice %arg2[%dma_wait3A_68, %dma_wait3A_69] : memref<4096x128xf32, #tpu.memory_space<hbm>> -> memref<4096x128xf32, #tpu.memory_space<hbm>>
    tpu.wait_indirect_dma semaphore(%arg17 : memref<!tpu.dma_semaphore, #tpu.memory_space<semaphore_mem>>) src(%dma_wait3A_70 : memref<4096x128xf32, #tpu.memory_space<hbm>>) dst(%dma_wait3A_65 : memref<64x128xf32, #tpu.memory_space<vmem>>)
    %scan3A_71 = arith.constant 0 : i32
    %scan3A_72 = arith.constant 32 : i32
    %scan3A_73 = arith.constant 32 : i32
    %scan3A_74 = arith.addi %scan3A_72, %scan3A_73 : i32
    %scan3A_75 = arith.constant 1 : i32
    scf.for %scan3A_81 = %scan3A_72 to %scan3A_74 step %scan3A_75  : i32 {
      %mul3A_82 = arith.constant 2 : i32
      %mul3A_83 = arith.muli %scan3A_81, %mul3A_82 : i32
      %add3A_84 = arith.constant 0 : i32
      %add3A_85 = arith.addi %mul3A_83, %add3A_84 : i32
      %broadcast_in_dim3A = arith.constant 0.000000e+00 : f32
      %broadcast_in_dim3A_86 = vector.broadcast %broadcast_in_dim3A : f32 to vector<16xf32>
      %broadcast_in_dim3A_87 = arith.constant 0.000000e+00 : f32
      %broadcast_in_dim3A_88 = vector.broadcast %broadcast_in_dim3A_87 : f32 to vector<16xf32>
      %broadcast_in_dim3A_89 = arith.constant 0.000000e+00 : f32
      %broadcast_in_dim3A_90 = vector.broadcast %broadcast_in_dim3A_89 : f32 to vector<16xf32>
      %broadcast_in_dim3A_91 = arith.constant 0.000000e+00 : f32
      %broadcast_in_dim3A_92 = vector.broadcast %broadcast_in_dim3A_91 : f32 to vector<16xf32>
      %get3A = arith.index_cast %add3A_85 : i32 to index
      %get3A_93 = arith.constant 0 : index
      %get3A_94 = tpu.vector_load %arg9[%get3A, %get3A_93] {strides = array<i32>} : memref<128x128xf32, #tpu.memory_space<vmem>>, vector<1x16xf32>,
      %get3A_95 = vector.shape_cast %get3A_94 : vector<1x16xf32> to vector<16xf32>
      %get3A_96 = arith.index_cast %add3A_85 : i32 to index
      %get3A_97 = arith.constant 0 : index
      %get3A_98 = tpu.vector_load %arg10[%get3A_96, %get3A_97] {strides = array<i32>} : memref<128x128xf32, #tpu.memory_space<vmem>>, vector<1x16xf32>,
      %get3A_99 = vector.shape_cast %get3A_98 : vector<1x16xf32> to vector<16xf32>
      %get3A_100 = arith.index_cast %add3A_85 : i32 to index
      %get3A_101 = arith.constant 0 : index
      %get3A_102 = tpu.vector_load %arg11[%get3A_100, %get3A_101] {strides = array<i32>} : memref<128x128xf32, #tpu.memory_space<vmem>>, vector<1x16xf32>,
      %get3A_103 = vector.shape_cast %get3A_102 : vector<1x16xf32> to vector<16xf32>
      %sub3A = arith.subf %get3A_95, %get3A_99 : vector<16xf32>
      %add3A_104 = arith.constant 9.99999997E-7 : f32
      %add3A_105 = vector.broadcast %add3A_104 : f32 to vector<16xf32>
      %add3A_106 = arith.addf %sub3A, %add3A_105 : vector<16xf32>
      %sub3A_107 = arith.subf %get3A_95, %get3A_103 : vector<16xf32>
      %add3A_108 = arith.constant 9.99999997E-7 : f32
      %add3A_109 = vector.broadcast %add3A_108 : f32 to vector<16xf32>
      %add3A_110 = arith.addf %sub3A_107, %add3A_109 : vector<16xf32>
      %mul3A_111 = arith.mulf %add3A_106, %add3A_106 : vector<16xf32>
      %add3A_112 = arith.addf %broadcast_in_dim3A_86, %mul3A_111 : vector<16xf32>
      %mul3A_113 = arith.mulf %add3A_110, %add3A_110 : vector<16xf32>
      %add3A_114 = arith.addf %broadcast_in_dim3A_90, %mul3A_113 : vector<16xf32>
      %get3A_115 = arith.index_cast %add3A_85 : i32 to index
      %get3A_116 = arith.constant 16 : index
      %get3A_117 = tpu.vector_load %arg9[%get3A_115, %get3A_116] {strides = array<i32>} : memref<128x128xf32, #tpu.memory_space<vmem>>, vector<1x16xf32>,
      %get3A_118 = vector.shape_cast %get3A_117 : vector<1x16xf32> to vector<16xf32>
      %get3A_119 = arith.index_cast %add3A_85 : i32 to index
      %get3A_120 = arith.constant 16 : index
      %get3A_121 = tpu.vector_load %arg10[%get3A_119, %get3A_120] {strides = array<i32>} : memref<128x128xf32, #tpu.memory_space<vmem>>, vector<1x16xf32>,
      %get3A_122 = vector.shape_cast %get3A_121 : vector<1x16xf32> to vector<16xf32>
      %get3A_123 = arith.index_cast %add3A_85 : i32 to index
      %get3A_124 = arith.constant 16 : index
      %get3A_125 = tpu.vector_load %arg11[%get3A_123, %get3A_124] {strides = array<i32>} : memref<128x128xf32, #tpu.memory_space<vmem>>, vector<1x16xf32>,
      %get3A_126 = vector.shape_cast %get3A_125 : vector<1x16xf32> to vector<16xf32>
      %sub3A_127 = arith.subf %get3A_118, %get3A_122 : vector<16xf32>
      %add3A_128 = arith.constant 9.99999997E-7 : f32
      %add3A_129 = vector.broadcast %add3A_128 : f32 to vector<16xf32>
      %add3A_130 = arith.addf %sub3A_127, %add3A_129 : vector<16xf32>
      %sub3A_131 = arith.subf %get3A_118, %get3A_126 : vector<16xf32>
      %add3A_132 = arith.constant 9.99999997E-7 : f32
      %add3A_133 = vector.broadcast %add3A_132 : f32 to vector<16xf32>
      %add3A_134 = arith.addf %sub3A_131, %add3A_133 : vector<16xf32>
      %mul3A_135 = arith.mulf %add3A_130, %add3A_130 : vector<16xf32>
      %add3A_136 = arith.addf %broadcast_in_dim3A_88, %mul3A_135 : vector<16xf32>
      %mul3A_137 = arith.mulf %add3A_134, %add3A_134 : vector<16xf32>
      %add3A_138 = arith.addf %broadcast_in_dim3A_92, %mul3A_137 : vector<16xf32>
      %get3A_139 = arith.index_cast %add3A_85 : i32 to index
      %get3A_140 = arith.constant 32 : index
      %get3A_141 = tpu.vector_load %arg9[%get3A_139, %get3A_140] {strides = array<i32>} : memref<128x128xf32, #tpu.memory_space<vmem>>, vector<1x16xf32>,
      %get3A_142 = vector.shape_cast %get3A_141 : vector<1x16xf32> to vector<16xf32>
      %get3A_143 = arith.index_cast %add3A_85 : i32 to index
      %get3A_144 = arith.constant 32 : index
      %get3A_145 = tpu.vector_load %arg10[%get3A_143, %get3A_144] {strides = array<i32>} : memref<128x128xf32, #tpu.memory_space<vmem>>, vector<1x16xf32>,
      %get3A_146 = vector.shape_cast %get3A_145 : vector<1x16xf32> to vector<16xf32>
      %get3A_147 = arith.index_cast %add3A_85 : i32 to index
      %get3A_148 = arith.constant 32 : index
      %get3A_149 = tpu.vector_load %arg11[%get3A_147, %get3A_148] {strides = array<i32>} : memref<128x128xf32, #tpu.memory_space<vmem>>, vector<1x16xf32>,
      %get3A_150 = vector.shape_cast %get3A_149 : vector<1x16xf32> to vector<16xf32>
      %sub3A_151 = arith.subf %get3A_142, %get3A_146 : vector<16xf32>
      %add3A_152 = arith.constant 9.99999997E-7 : f32
      %add3A_153 = vector.broadcast %add3A_152 : f32 to vector<16xf32>
      %add3A_154 = arith.addf %sub3A_151, %add3A_153 : vector<16xf32>
      %sub3A_155 = arith.subf %get3A_142, %get3A_150 : vector<16xf32>
      %add3A_156 = arith.constant 9.99999997E-7 : f32
      %add3A_157 = vector.broadcast %add3A_156 : f32 to vector<16xf32>
      %add3A_158 = arith.addf %sub3A_155, %add3A_157 : vector<16xf32>
      %mul3A_159 = arith.mulf %add3A_154, %add3A_154 : vector<16xf32>
      %add3A_160 = arith.addf %add3A_112, %mul3A_159 : vector<16xf32>
      %mul3A_161 = arith.mulf %add3A_158, %add3A_158 : vector<16xf32>
      %add3A_162 = arith.addf %add3A_114, %mul3A_161 : vector<16xf32>
      %get3A_163 = arith.index_cast %add3A_85 : i32 to index
      %get3A_164 = arith.constant 48 : index
      %get3A_165 = tpu.vector_load %arg9[%get3A_163, %get3A_164] {strides = array<i32>} : memref<128x128xf32, #tpu.memory_space<vmem>>, vector<1x16xf32>,
      %get3A_166 = vector.shape_cast %get3A_165 : vector<1x16xf32> to vector<16xf32>
      %get3A_167 = arith.index_cast %add3A_85 : i32 to index
      %get3A_168 = arith.constant 48 : index
      %get3A_169 = tpu.vector_load %arg10[%get3A_167, %get3A_168] {strides = array<i32>} : memref<128x128xf32, #tpu.memory_space<vmem>>, vector<1x16xf32>,
      %get3A_170 = vector.shape_cast %get3A_169 : vector<1x16xf32> to vector<16xf32>
      %get3A_171 = arith.index_cast %add3A_85 : i32 to index
      %get3A_172 = arith.constant 48 : index
      %get3A_173 = tpu.vector_load %arg11[%get3A_171, %get3A_172] {strides = array<i32>} : memref<128x128xf32, #tpu.memory_space<vmem>>, vector<1x16xf32>,
      %get3A_174 = vector.shape_cast %get3A_173 : vector<1x16xf32> to vector<16xf32>
      %sub3A_175 = arith.subf %get3A_166, %get3A_170 : vector<16xf32>
      %add3A_176 = arith.constant 9.99999997E-7 : f32
      %add3A_177 = vector.broadcast %add3A_176 : f32 to vector<16xf32>
      %add3A_178 = arith.addf %sub3A_175, %add3A_177 : vector<16xf32>
      %sub3A_179 = arith.subf %get3A_166, %get3A_174 : vector<16xf32>
      %add3A_180 = arith.constant 9.99999997E-7 : f32
      %add3A_181 = vector.broadcast %add3A_180 : f32 to vector<16xf32>
      %add3A_182 = arith.addf %sub3A_179, %add3A_181 : vector<16xf32>
      %mul3A_183 = arith.mulf %add3A_178, %add3A_178 : vector<16xf32>
      %add3A_184 = arith.addf %add3A_136, %mul3A_183 : vector<16xf32>
      %mul3A_185 = arith.mulf %add3A_182, %add3A_182 : vector<16xf32>
      %add3A_186 = arith.addf %add3A_138, %mul3A_185 : vector<16xf32>
      %get3A_187 = arith.index_cast %add3A_85 : i32 to index
      %get3A_188 = arith.constant 64 : index
      %get3A_189 = tpu.vector_load %arg9[%get3A_187, %get3A_188] {strides = array<i32>} : memref<128x128xf32, #tpu.memory_space<vmem>>, vector<1x16xf32>,
      %get3A_190 = vector.shape_cast %get3A_189 : vector<1x16xf32> to vector<16xf32>
      %get3A_191 = arith.index_cast %add3A_85 : i32 to index
      %get3A_192 = arith.constant 64 : index
      %get3A_193 = tpu.vector_load %arg10[%get3A_191, %get3A_192] {strides = array<i32>} : memref<128x128xf32, #tpu.memory_space<vmem>>, vector<1x16xf32>,
      %get3A_194 = vector.shape_cast %get3A_193 : vector<1x16xf32> to vector<16xf32>
      %get3A_195 = arith.index_cast %add3A_85 : i32 to index
      %get3A_196 = arith.constant 64 : index
      %get3A_197 = tpu.vector_load %arg11[%get3A_195, %get3A_196] {strides = array<i32>} : memref<128x128xf32, #tpu.memory_space<vmem>>, vector<1x16xf32>,
      %get3A_198 = vector.shape_cast %get3A_197 : vector<1x16xf32> to vector<16xf32>
      %sub3A_199 = arith.subf %get3A_190, %get3A_194 : vector<16xf32>
      %add3A_200 = arith.constant 9.99999997E-7 : f32
      %add3A_201 = vector.broadcast %add3A_200 : f32 to vector<16xf32>
      %add3A_202 = arith.addf %sub3A_199, %add3A_201 : vector<16xf32>
      %sub3A_203 = arith.subf %get3A_190, %get3A_198 : vector<16xf32>
      %add3A_204 = arith.constant 9.99999997E-7 : f32
      %add3A_205 = vector.broadcast %add3A_204 : f32 to vector<16xf32>
      %add3A_206 = arith.addf %sub3A_203, %add3A_205 : vector<16xf32>
      %mul3A_207 = arith.mulf %add3A_202, %add3A_202 : vector<16xf32>
      %add3A_208 = arith.addf %add3A_160, %mul3A_207 : vector<16xf32>
      %mul3A_209 = arith.mulf %add3A_206, %add3A_206 : vector<16xf32>
      %add3A_210 = arith.addf %add3A_162, %mul3A_209 : vector<16xf32>
      %get3A_211 = arith.index_cast %add3A_85 : i32 to index
      %get3A_212 = arith.constant 80 : index
      %get3A_213 = tpu.vector_load %arg9[%get3A_211, %get3A_212] {strides = array<i32>} : memref<128x128xf32, #tpu.memory_space<vmem>>, vector<1x16xf32>,
      %get3A_214 = vector.shape_cast %get3A_213 : vector<1x16xf32> to vector<16xf32>
      %get3A_215 = arith.index_cast %add3A_85 : i32 to index
      %get3A_216 = arith.constant 80 : index
      %get3A_217 = tpu.vector_load %arg10[%get3A_215, %get3A_216] {strides = array<i32>} : memref<128x128xf32, #tpu.memory_space<vmem>>, vector<1x16xf32>,
      %get3A_218 = vector.shape_cast %get3A_217 : vector<1x16xf32> to vector<16xf32>
      %get3A_219 = arith.index_cast %add3A_85 : i32 to index
      %get3A_220 = arith.constant 80 : index
      %get3A_221 = tpu.vector_load %arg11[%get3A_219, %get3A_220] {strides = array<i32>} : memref<128x128xf32, #tpu.memory_space<vmem>>, vector<1x16xf32>,
      %get3A_222 = vector.shape_cast %get3A_221 : vector<1x16xf32> to vector<16xf32>
      %sub3A_223 = arith.subf %get3A_214, %get3A_218 : vector<16xf32>
      %add3A_224 = arith.constant 9.99999997E-7 : f32
      %add3A_225 = vector.broadcast %add3A_224 : f32 to vector<16xf32>
      %add3A_226 = arith.addf %sub3A_223, %add3A_225 : vector<16xf32>
      %sub3A_227 = arith.subf %get3A_214, %get3A_222 : vector<16xf32>
      %add3A_228 = arith.constant 9.99999997E-7 : f32
      %add3A_229 = vector.broadcast %add3A_228 : f32 to vector<16xf32>
      %add3A_230 = arith.addf %sub3A_227, %add3A_229 : vector<16xf32>
      %mul3A_231 = arith.mulf %add3A_226, %add3A_226 : vector<16xf32>
      %add3A_232 = arith.addf %add3A_184, %mul3A_231 : vector<16xf32>
      %mul3A_233 = arith.mulf %add3A_230, %add3A_230 : vector<16xf32>
      %add3A_234 = arith.addf %add3A_186, %mul3A_233 : vector<16xf32>
      %get3A_235 = arith.index_cast %add3A_85 : i32 to index
      %get3A_236 = arith.constant 96 : index
      %get3A_237 = tpu.vector_load %arg9[%get3A_235, %get3A_236] {strides = array<i32>} : memref<128x128xf32, #tpu.memory_space<vmem>>, vector<1x16xf32>,
      %get3A_238 = vector.shape_cast %get3A_237 : vector<1x16xf32> to vector<16xf32>
      %get3A_239 = arith.index_cast %add3A_85 : i32 to index
      %get3A_240 = arith.constant 96 : index
      %get3A_241 = tpu.vector_load %arg10[%get3A_239, %get3A_240] {strides = array<i32>} : memref<128x128xf32, #tpu.memory_space<vmem>>, vector<1x16xf32>,
      %get3A_242 = vector.shape_cast %get3A_241 : vector<1x16xf32> to vector<16xf32>
      %get3A_243 = arith.index_cast %add3A_85 : i32 to index
      %get3A_244 = arith.constant 96 : index
      %get3A_245 = tpu.vector_load %arg11[%get3A_243, %get3A_244] {strides = array<i32>} : memref<128x128xf32, #tpu.memory_space<vmem>>, vector<1x16xf32>,
      %get3A_246 = vector.shape_cast %get3A_245 : vector<1x16xf32> to vector<16xf32>
      %sub3A_247 = arith.subf %get3A_238, %get3A_242 : vector<16xf32>
      %add3A_248 = arith.constant 9.99999997E-7 : f32
      %add3A_249 = vector.broadcast %add3A_248 : f32 to vector<16xf32>
      %add3A_250 = arith.addf %sub3A_247, %add3A_249 : vector<16xf32>
      %sub3A_251 = arith.subf %get3A_238, %get3A_246 : vector<16xf32>
      %add3A_252 = arith.constant 9.99999997E-7 : f32
      %add3A_253 = vector.broadcast %add3A_252 : f32 to vector<16xf32>
      %add3A_254 = arith.addf %sub3A_251, %add3A_253 : vector<16xf32>
      %mul3A_255 = arith.mulf %add3A_250, %add3A_250 : vector<16xf32>
      %add3A_256 = arith.addf %add3A_208, %mul3A_255 : vector<16xf32>
      %mul3A_257 = arith.mulf %add3A_254, %add3A_254 : vector<16xf32>
      %add3A_258 = arith.addf %add3A_210, %mul3A_257 : vector<16xf32>
      %get3A_259 = arith.index_cast %add3A_85 : i32 to index
      %get3A_260 = arith.constant 112 : index
      %get3A_261 = tpu.vector_load %arg9[%get3A_259, %get3A_260] {strides = array<i32>} : memref<128x128xf32, #tpu.memory_space<vmem>>, vector<1x16xf32>,
      %get3A_262 = vector.shape_cast %get3A_261 : vector<1x16xf32> to vector<16xf32>
      %get3A_263 = arith.index_cast %add3A_85 : i32 to index
      %get3A_264 = arith.constant 112 : index
      %get3A_265 = tpu.vector_load %arg10[%get3A_263, %get3A_264] {strides = array<i32>} : memref<128x128xf32, #tpu.memory_space<vmem>>, vector<1x16xf32>,
      %get3A_266 = vector.shape_cast %get3A_265 : vector<1x16xf32> to vector<16xf32>
      %get3A_267 = arith.index_cast %add3A_85 : i32 to index
      %get3A_268 = arith.constant 112 : index
      %get3A_269 = tpu.vector_load %arg11[%get3A_267, %get3A_268] {strides = array<i32>} : memref<128x128xf32, #tpu.memory_space<vmem>>, vector<1x16xf32>,
      %get3A_270 = vector.shape_cast %get3A_269 : vector<1x16xf32> to vector<16xf32>
      %sub3A_271 = arith.subf %get3A_262, %get3A_266 : vector<16xf32>
      %add3A_272 = arith.constant 9.99999997E-7 : f32
      %add3A_273 = vector.broadcast %add3A_272 : f32 to vector<16xf32>
      %add3A_274 = arith.addf %sub3A_271, %add3A_273 : vector<16xf32>
      %sub3A_275 = arith.subf %get3A_262, %get3A_270 : vector<16xf32>
      %add3A_276 = arith.constant 9.99999997E-7 : f32
      %add3A_277 = vector.broadcast %add3A_276 : f32 to vector<16xf32>
      %add3A_278 = arith.addf %sub3A_275, %add3A_277 : vector<16xf32>
      %mul3A_279 = arith.mulf %add3A_274, %add3A_274 : vector<16xf32>
      %add3A_280 = arith.addf %add3A_232, %mul3A_279 : vector<16xf32>
      %mul3A_281 = arith.mulf %add3A_278, %add3A_278 : vector<16xf32>
      %add3A_282 = arith.addf %add3A_234, %mul3A_281 : vector<16xf32>
      %add3A_283 = arith.addf %add3A_256, %add3A_280 : vector<16xf32>
      %shift_right_arithmetic3A = arith.constant 3 : i32
      %shift_right_arithmetic3A_284 = arith.shrsi %add3A_85, %shift_right_arithmetic3A : i32
      %and3A = arith.constant 7 : i32
      %and3A_285 = arith.andi %add3A_85, %and3A : i32
      %mul3A_286 = arith.constant 16 : i32
      %mul3A_287 = arith.muli %and3A_285, %mul3A_286 : i32
      %swap3A = arith.index_cast %shift_right_arithmetic3A_284 : i32 to index
      %swap3A_288 = arith.index_cast %mul3A_287 : i32 to index
      %swap3A_289 = tpu.vector_load %arg12[%swap3A, %swap3A_288] {strides = array<i32>} : memref<16x128xf32, #tpu.memory_space<vmem>>, vector<1x16xf32>,
      %swap3A_290 = vector.shape_cast %swap3A_289 : vector<1x16xf32> to vector<16xf32>
      %swap3A_291 = vector.shape_cast %add3A_283 : vector<16xf32> to vector<1x16xf32>
      tpu.vector_store %arg12[%swap3A, %swap3A_288], %swap3A_291 {strides = array<i32>} : memref<16x128xf32, #tpu.memory_space<vmem>>, vector<1x16xf32>,
      %add3A_292 = arith.addf %add3A_258, %add3A_282 : vector<16xf32>
      %shift_right_arithmetic3A_293 = arith.constant 3 : i32
      %shift_right_arithmetic3A_294 = arith.shrsi %add3A_85, %shift_right_arithmetic3A_293 : i32
      %and3A_295 = arith.constant 7 : i32
      %and3A_296 = arith.andi %add3A_85, %and3A_295 : i32
      %mul3A_297 = arith.constant 16 : i32
      %mul3A_298 = arith.muli %and3A_296, %mul3A_297 : i32
      %swap3A_299 = arith.index_cast %shift_right_arithmetic3A_294 : i32 to index
      %swap3A_300 = arith.index_cast %mul3A_298 : i32 to index
      %swap3A_301 = tpu.vector_load %arg13[%swap3A_299, %swap3A_300] {strides = array<i32>} : memref<16x128xf32, #tpu.memory_space<vmem>>, vector<1x16xf32>,
      %swap3A_302 = vector.shape_cast %swap3A_301 : vector<1x16xf32> to vector<16xf32>
      %swap3A_303 = vector.shape_cast %add3A_292 : vector<16xf32> to vector<1x16xf32>
      tpu.vector_store %arg13[%swap3A_299, %swap3A_300], %swap3A_303 {strides = array<i32>} : memref<16x128xf32, #tpu.memory_space<vmem>>, vector<1x16xf32>,
      %mul3A_304 = arith.constant 2 : i32
      %mul3A_305 = arith.muli %scan3A_81, %mul3A_304 : i32
      %add3A_306 = arith.constant 1 : i32
      %add3A_307 = arith.addi %mul3A_305, %add3A_306 : i32
      %broadcast_in_dim3A_308 = arith.constant 0.000000e+00 : f32
      %broadcast_in_dim3A_309 = vector.broadcast %broadcast_in_dim3A_308 : f32 to vector<16xf32>
      %broadcast_in_dim3A_310 = arith.constant 0.000000e+00 : f32
      %broadcast_in_dim3A_311 = vector.broadcast %broadcast_in_dim3A_310 : f32 to vector<16xf32>
      %broadcast_in_dim3A_312 = arith.constant 0.000000e+00 : f32
      %broadcast_in_dim3A_313 = vector.broadcast %broadcast_in_dim3A_312 : f32 to vector<16xf32>
      %broadcast_in_dim3A_314 = arith.constant 0.000000e+00 : f32
      %broadcast_in_dim3A_315 = vector.broadcast %broadcast_in_dim3A_314 : f32 to vector<16xf32>
      %get3A_316 = arith.index_cast %add3A_307 : i32 to index
      %get3A_317 = arith.constant 0 : index
      %get3A_318 = tpu.vector_load %arg9[%get3A_316, %get3A_317] {strides = array<i32>} : memref<128x128xf32, #tpu.memory_space<vmem>>, vector<1x16xf32>,
      %get3A_319 = vector.shape_cast %get3A_318 : vector<1x16xf32> to vector<16xf32>
      %get3A_320 = arith.index_cast %add3A_307 : i32 to index
      %get3A_321 = arith.constant 0 : index
      %get3A_322 = tpu.vector_load %arg10[%get3A_320, %get3A_321] {strides = array<i32>} : memref<128x128xf32, #tpu.memory_space<vmem>>, vector<1x16xf32>,
      %get3A_323 = vector.shape_cast %get3A_322 : vector<1x16xf32> to vector<16xf32>
      %get3A_324 = arith.index_cast %add3A_307 : i32 to index
      %get3A_325 = arith.constant 0 : index
      %get3A_326 = tpu.vector_load %arg11[%get3A_324, %get3A_325] {strides = array<i32>} : memref<128x128xf32, #tpu.memory_space<vmem>>, vector<1x16xf32>,
      %get3A_327 = vector.shape_cast %get3A_326 : vector<1x16xf32> to vector<16xf32>
      %sub3A_328 = arith.subf %get3A_319, %get3A_323 : vector<16xf32>
      %add3A_329 = arith.constant 9.99999997E-7 : f32
      %add3A_330 = vector.broadcast %add3A_329 : f32 to vector<16xf32>
      %add3A_331 = arith.addf %sub3A_328, %add3A_330 : vector<16xf32>
      %sub3A_332 = arith.subf %get3A_319, %get3A_327 : vector<16xf32>
      %add3A_333 = arith.constant 9.99999997E-7 : f32
      %add3A_334 = vector.broadcast %add3A_333 : f32 to vector<16xf32>
      %add3A_335 = arith.addf %sub3A_332, %add3A_334 : vector<16xf32>
      %mul3A_336 = arith.mulf %add3A_331, %add3A_331 : vector<16xf32>
      %add3A_337 = arith.addf %broadcast_in_dim3A_309, %mul3A_336 : vector<16xf32>
      %mul3A_338 = arith.mulf %add3A_335, %add3A_335 : vector<16xf32>
      %add3A_339 = arith.addf %broadcast_in_dim3A_313, %mul3A_338 : vector<16xf32>
      %get3A_340 = arith.index_cast %add3A_307 : i32 to index
      %get3A_341 = arith.constant 16 : index
      %get3A_342 = tpu.vector_load %arg9[%get3A_340, %get3A_341] {strides = array<i32>} : memref<128x128xf32, #tpu.memory_space<vmem>>, vector<1x16xf32>,
      %get3A_343 = vector.shape_cast %get3A_342 : vector<1x16xf32> to vector<16xf32>
      %get3A_344 = arith.index_cast %add3A_307 : i32 to index
      %get3A_345 = arith.constant 16 : index
      %get3A_346 = tpu.vector_load %arg10[%get3A_344, %get3A_345] {strides = array<i32>} : memref<128x128xf32, #tpu.memory_space<vmem>>, vector<1x16xf32>,
      %get3A_347 = vector.shape_cast %get3A_346 : vector<1x16xf32> to vector<16xf32>
      %get3A_348 = arith.index_cast %add3A_307 : i32 to index
      %get3A_349 = arith.constant 16 : index
      %get3A_350 = tpu.vector_load %arg11[%get3A_348, %get3A_349] {strides = array<i32>} : memref<128x128xf32, #tpu.memory_space<vmem>>, vector<1x16xf32>,
      %get3A_351 = vector.shape_cast %get3A_350 : vector<1x16xf32> to vector<16xf32>
      %sub3A_352 = arith.subf %get3A_343, %get3A_347 : vector<16xf32>
      %add3A_353 = arith.constant 9.99999997E-7 : f32
      %add3A_354 = vector.broadcast %add3A_353 : f32 to vector<16xf32>
      %add3A_355 = arith.addf %sub3A_352, %add3A_354 : vector<16xf32>
      %sub3A_356 = arith.subf %get3A_343, %get3A_351 : vector<16xf32>
      %add3A_357 = arith.constant 9.99999997E-7 : f32
      %add3A_358 = vector.broadcast %add3A_357 : f32 to vector<16xf32>
      %add3A_359 = arith.addf %sub3A_356, %add3A_358 : vector<16xf32>
      %mul3A_360 = arith.mulf %add3A_355, %add3A_355 : vector<16xf32>
      %add3A_361 = arith.addf %broadcast_in_dim3A_311, %mul3A_360 : vector<16xf32>
      %mul3A_362 = arith.mulf %add3A_359, %add3A_359 : vector<16xf32>
      %add3A_363 = arith.addf %broadcast_in_dim3A_315, %mul3A_362 : vector<16xf32>
      %get3A_364 = arith.index_cast %add3A_307 : i32 to index
      %get3A_365 = arith.constant 32 : index
      %get3A_366 = tpu.vector_load %arg9[%get3A_364, %get3A_365] {strides = array<i32>} : memref<128x128xf32, #tpu.memory_space<vmem>>, vector<1x16xf32>,
      %get3A_367 = vector.shape_cast %get3A_366 : vector<1x16xf32> to vector<16xf32>
      %get3A_368 = arith.index_cast %add3A_307 : i32 to index
      %get3A_369 = arith.constant 32 : index
      %get3A_370 = tpu.vector_load %arg10[%get3A_368, %get3A_369] {strides = array<i32>} : memref<128x128xf32, #tpu.memory_space<vmem>>, vector<1x16xf32>,
      %get3A_371 = vector.shape_cast %get3A_370 : vector<1x16xf32> to vector<16xf32>
      %get3A_372 = arith.index_cast %add3A_307 : i32 to index
      %get3A_373 = arith.constant 32 : index
      %get3A_374 = tpu.vector_load %arg11[%get3A_372, %get3A_373] {strides = array<i32>} : memref<128x128xf32, #tpu.memory_space<vmem>>, vector<1x16xf32>,
      %get3A_375 = vector.shape_cast %get3A_374 : vector<1x16xf32> to vector<16xf32>
      %sub3A_376 = arith.subf %get3A_367, %get3A_371 : vector<16xf32>
      %add3A_377 = arith.constant 9.99999997E-7 : f32
      %add3A_378 = vector.broadcast %add3A_377 : f32 to vector<16xf32>
      %add3A_379 = arith.addf %sub3A_376, %add3A_378 : vector<16xf32>
      %sub3A_380 = arith.subf %get3A_367, %get3A_375 : vector<16xf32>
      %add3A_381 = arith.constant 9.99999997E-7 : f32
      %add3A_382 = vector.broadcast %add3A_381 : f32 to vector<16xf32>
      %add3A_383 = arith.addf %sub3A_380, %add3A_382 : vector<16xf32>
      %mul3A_384 = arith.mulf %add3A_379, %add3A_379 : vector<16xf32>
      %add3A_385 = arith.addf %add3A_337, %mul3A_384 : vector<16xf32>
      %mul3A_386 = arith.mulf %add3A_383, %add3A_383 : vector<16xf32>
      %add3A_387 = arith.addf %add3A_339, %mul3A_386 : vector<16xf32>
      %get3A_388 = arith.index_cast %add3A_307 : i32 to index
      %get3A_389 = arith.constant 48 : index
      %get3A_390 = tpu.vector_load %arg9[%get3A_388, %get3A_389] {strides = array<i32>} : memref<128x128xf32, #tpu.memory_space<vmem>>, vector<1x16xf32>,
      %get3A_391 = vector.shape_cast %get3A_390 : vector<1x16xf32> to vector<16xf32>
      %get3A_392 = arith.index_cast %add3A_307 : i32 to index
      %get3A_393 = arith.constant 48 : index
      %get3A_394 = tpu.vector_load %arg10[%get3A_392, %get3A_393] {strides = array<i32>} : memref<128x128xf32, #tpu.memory_space<vmem>>, vector<1x16xf32>,
      %get3A_395 = vector.shape_cast %get3A_394 : vector<1x16xf32> to vector<16xf32>
      %get3A_396 = arith.index_cast %add3A_307 : i32 to index
      %get3A_397 = arith.constant 48 : index
      %get3A_398 = tpu.vector_load %arg11[%get3A_396, %get3A_397] {strides = array<i32>} : memref<128x128xf32, #tpu.memory_space<vmem>>, vector<1x16xf32>,
      %get3A_399 = vector.shape_cast %get3A_398 : vector<1x16xf32> to vector<16xf32>
      %sub3A_400 = arith.subf %get3A_391, %get3A_395 : vector<16xf32>
      %add3A_401 = arith.constant 9.99999997E-7 : f32
      %add3A_402 = vector.broadcast %add3A_401 : f32 to vector<16xf32>
      %add3A_403 = arith.addf %sub3A_400, %add3A_402 : vector<16xf32>
      %sub3A_404 = arith.subf %get3A_391, %get3A_399 : vector<16xf32>
      %add3A_405 = arith.constant 9.99999997E-7 : f32
      %add3A_406 = vector.broadcast %add3A_405 : f32 to vector<16xf32>
      %add3A_407 = arith.addf %sub3A_404, %add3A_406 : vector<16xf32>
      %mul3A_408 = arith.mulf %add3A_403, %add3A_403 : vector<16xf32>
      %add3A_409 = arith.addf %add3A_361, %mul3A_408 : vector<16xf32>
      %mul3A_410 = arith.mulf %add3A_407, %add3A_407 : vector<16xf32>
      %add3A_411 = arith.addf %add3A_363, %mul3A_410 : vector<16xf32>
      %get3A_412 = arith.index_cast %add3A_307 : i32 to index
      %get3A_413 = arith.constant 64 : index
      %get3A_414 = tpu.vector_load %arg9[%get3A_412, %get3A_413] {strides = array<i32>} : memref<128x128xf32, #tpu.memory_space<vmem>>, vector<1x16xf32>,
      %get3A_415 = vector.shape_cast %get3A_414 : vector<1x16xf32> to vector<16xf32>
      %get3A_416 = arith.index_cast %add3A_307 : i32 to index
      %get3A_417 = arith.constant 64 : index
      %get3A_418 = tpu.vector_load %arg10[%get3A_416, %get3A_417] {strides = array<i32>} : memref<128x128xf32, #tpu.memory_space<vmem>>, vector<1x16xf32>,
      %get3A_419 = vector.shape_cast %get3A_418 : vector<1x16xf32> to vector<16xf32>
      %get3A_420 = arith.index_cast %add3A_307 : i32 to index
      %get3A_421 = arith.constant 64 : index
      %get3A_422 = tpu.vector_load %arg11[%get3A_420, %get3A_421] {strides = array<i32>} : memref<128x128xf32, #tpu.memory_space<vmem>>, vector<1x16xf32>,
      %get3A_423 = vector.shape_cast %get3A_422 : vector<1x16xf32> to vector<16xf32>
      %sub3A_424 = arith.subf %get3A_415, %get3A_419 : vector<16xf32>
      %add3A_425 = arith.constant 9.99999997E-7 : f32
      %add3A_426 = vector.broadcast %add3A_425 : f32 to vector<16xf32>
      %add3A_427 = arith.addf %sub3A_424, %add3A_426 : vector<16xf32>
      %sub3A_428 = arith.subf %get3A_415, %get3A_423 : vector<16xf32>
      %add3A_429 = arith.constant 9.99999997E-7 : f32
      %add3A_430 = vector.broadcast %add3A_429 : f32 to vector<16xf32>
      %add3A_431 = arith.addf %sub3A_428, %add3A_430 : vector<16xf32>
      %mul3A_432 = arith.mulf %add3A_427, %add3A_427 : vector<16xf32>
      %add3A_433 = arith.addf %add3A_385, %mul3A_432 : vector<16xf32>
      %mul3A_434 = arith.mulf %add3A_431, %add3A_431 : vector<16xf32>
      %add3A_435 = arith.addf %add3A_387, %mul3A_434 : vector<16xf32>
      %get3A_436 = arith.index_cast %add3A_307 : i32 to index
      %get3A_437 = arith.constant 80 : index
      %get3A_438 = tpu.vector_load %arg9[%get3A_436, %get3A_437] {strides = array<i32>} : memref<128x128xf32, #tpu.memory_space<vmem>>, vector<1x16xf32>,
      %get3A_439 = vector.shape_cast %get3A_438 : vector<1x16xf32> to vector<16xf32>
      %get3A_440 = arith.index_cast %add3A_307 : i32 to index
      %get3A_441 = arith.constant 80 : index
      %get3A_442 = tpu.vector_load %arg10[%get3A_440, %get3A_441] {strides = array<i32>} : memref<128x128xf32, #tpu.memory_space<vmem>>, vector<1x16xf32>,
      %get3A_443 = vector.shape_cast %get3A_442 : vector<1x16xf32> to vector<16xf32>
      %get3A_444 = arith.index_cast %add3A_307 : i32 to index
      %get3A_445 = arith.constant 80 : index
      %get3A_446 = tpu.vector_load %arg11[%get3A_444, %get3A_445] {strides = array<i32>} : memref<128x128xf32, #tpu.memory_space<vmem>>, vector<1x16xf32>,
      %get3A_447 = vector.shape_cast %get3A_446 : vector<1x16xf32> to vector<16xf32>
      %sub3A_448 = arith.subf %get3A_439, %get3A_443 : vector<16xf32>
      %add3A_449 = arith.constant 9.99999997E-7 : f32
      %add3A_450 = vector.broadcast %add3A_449 : f32 to vector<16xf32>
      %add3A_451 = arith.addf %sub3A_448, %add3A_450 : vector<16xf32>
      %sub3A_452 = arith.subf %get3A_439, %get3A_447 : vector<16xf32>
      %add3A_453 = arith.constant 9.99999997E-7 : f32
      %add3A_454 = vector.broadcast %add3A_453 : f32 to vector<16xf32>
      %add3A_455 = arith.addf %sub3A_452, %add3A_454 : vector<16xf32>
      %mul3A_456 = arith.mulf %add3A_451, %add3A_451 : vector<16xf32>
      %add3A_457 = arith.addf %add3A_409, %mul3A_456 : vector<16xf32>
      %mul3A_458 = arith.mulf %add3A_455, %add3A_455 : vector<16xf32>
      %add3A_459 = arith.addf %add3A_411, %mul3A_458 : vector<16xf32>
      %get3A_460 = arith.index_cast %add3A_307 : i32 to index
      %get3A_461 = arith.constant 96 : index
      %get3A_462 = tpu.vector_load %arg9[%get3A_460, %get3A_461] {strides = array<i32>} : memref<128x128xf32, #tpu.memory_space<vmem>>, vector<1x16xf32>,
      %get3A_463 = vector.shape_cast %get3A_462 : vector<1x16xf32> to vector<16xf32>
      %get3A_464 = arith.index_cast %add3A_307 : i32 to index
      %get3A_465 = arith.constant 96 : index
      %get3A_466 = tpu.vector_load %arg10[%get3A_464, %get3A_465] {strides = array<i32>} : memref<128x128xf32, #tpu.memory_space<vmem>>, vector<1x16xf32>,
      %get3A_467 = vector.shape_cast %get3A_466 : vector<1x16xf32> to vector<16xf32>
      %get3A_468 = arith.index_cast %add3A_307 : i32 to index
      %get3A_469 = arith.constant 96 : index
      %get3A_470 = tpu.vector_load %arg11[%get3A_468, %get3A_469] {strides = array<i32>} : memref<128x128xf32, #tpu.memory_space<vmem>>, vector<1x16xf32>,
      %get3A_471 = vector.shape_cast %get3A_470 : vector<1x16xf32> to vector<16xf32>
      %sub3A_472 = arith.subf %get3A_463, %get3A_467 : vector<16xf32>
      %add3A_473 = arith.constant 9.99999997E-7 : f32
      %add3A_474 = vector.broadcast %add3A_473 : f32 to vector<16xf32>
      %add3A_475 = arith.addf %sub3A_472, %add3A_474 : vector<16xf32>
      %sub3A_476 = arith.subf %get3A_463, %get3A_471 : vector<16xf32>
      %add3A_477 = arith.constant 9.99999997E-7 : f32
      %add3A_478 = vector.broadcast %add3A_477 : f32 to vector<16xf32>
      %add3A_479 = arith.addf %sub3A_476, %add3A_478 : vector<16xf32>
      %mul3A_480 = arith.mulf %add3A_475, %add3A_475 : vector<16xf32>
      %add3A_481 = arith.addf %add3A_433, %mul3A_480 : vector<16xf32>
      %mul3A_482 = arith.mulf %add3A_479, %add3A_479 : vector<16xf32>
      %add3A_483 = arith.addf %add3A_435, %mul3A_482 : vector<16xf32>
      %get3A_484 = arith.index_cast %add3A_307 : i32 to index
      %get3A_485 = arith.constant 112 : index
      %get3A_486 = tpu.vector_load %arg9[%get3A_484, %get3A_485] {strides = array<i32>} : memref<128x128xf32, #tpu.memory_space<vmem>>, vector<1x16xf32>,
      %get3A_487 = vector.shape_cast %get3A_486 : vector<1x16xf32> to vector<16xf32>
      %get3A_488 = arith.index_cast %add3A_307 : i32 to index
      %get3A_489 = arith.constant 112 : index
      %get3A_490 = tpu.vector_load %arg10[%get3A_488, %get3A_489] {strides = array<i32>} : memref<128x128xf32, #tpu.memory_space<vmem>>, vector<1x16xf32>,
      %get3A_491 = vector.shape_cast %get3A_490 : vector<1x16xf32> to vector<16xf32>
      %get3A_492 = arith.index_cast %add3A_307 : i32 to index
      %get3A_493 = arith.constant 112 : index
      %get3A_494 = tpu.vector_load %arg11[%get3A_492, %get3A_493] {strides = array<i32>} : memref<128x128xf32, #tpu.memory_space<vmem>>, vector<1x16xf32>,
      %get3A_495 = vector.shape_cast %get3A_494 : vector<1x16xf32> to vector<16xf32>
      %sub3A_496 = arith.subf %get3A_487, %get3A_491 : vector<16xf32>
      %add3A_497 = arith.constant 9.99999997E-7 : f32
      %add3A_498 = vector.broadcast %add3A_497 : f32 to vector<16xf32>
      %add3A_499 = arith.addf %sub3A_496, %add3A_498 : vector<16xf32>
      %sub3A_500 = arith.subf %get3A_487, %get3A_495 : vector<16xf32>
      %add3A_501 = arith.constant 9.99999997E-7 : f32
      %add3A_502 = vector.broadcast %add3A_501 : f32 to vector<16xf32>
      %add3A_503 = arith.addf %sub3A_500, %add3A_502 : vector<16xf32>
      %mul3A_504 = arith.mulf %add3A_499, %add3A_499 : vector<16xf32>
      %add3A_505 = arith.addf %add3A_457, %mul3A_504 : vector<16xf32>
      %mul3A_506 = arith.mulf %add3A_503, %add3A_503 : vector<16xf32>
      %add3A_507 = arith.addf %add3A_459, %mul3A_506 : vector<16xf32>
      %add3A_508 = arith.addf %add3A_481, %add3A_505 : vector<16xf32>
      %shift_right_arithmetic3A_509 = arith.constant 3 : i32
      %shift_right_arithmetic3A_510 = arith.shrsi %add3A_307, %shift_right_arithmetic3A_509 : i32
      %and3A_511 = arith.constant 7 : i32
      %and3A_512 = arith.andi %add3A_307, %and3A_511 : i32
      %mul3A_513 = arith.constant 16 : i32
      %mul3A_514 = arith.muli %and3A_512, %mul3A_513 : i32
      %swap3A_515 = arith.index_cast %shift_right_arithmetic3A_510 : i32 to index
      %swap3A_516 = arith.index_cast %mul3A_514 : i32 to index
      %swap3A_517 = tpu.vector_load %arg12[%swap3A_515, %swap3A_516] {strides = array<i32>} : memref<16x128xf32, #tpu.memory_space<vmem>>, vector<1x16xf32>,
      %swap3A_518 = vector.shape_cast %swap3A_517 : vector<1x16xf32> to vector<16xf32>
      %swap3A_519 = vector.shape_cast %add3A_508 : vector<16xf32> to vector<1x16xf32>
      tpu.vector_store %arg12[%swap3A_515, %swap3A_516], %swap3A_519 {strides = array<i32>} : memref<16x128xf32, #tpu.memory_space<vmem>>, vector<1x16xf32>,
      %add3A_520 = arith.addf %add3A_483, %add3A_507 : vector<16xf32>
      %shift_right_arithmetic3A_521 = arith.constant 3 : i32
      %shift_right_arithmetic3A_522 = arith.shrsi %add3A_307, %shift_right_arithmetic3A_521 : i32
      %and3A_523 = arith.constant 7 : i32
      %and3A_524 = arith.andi %add3A_307, %and3A_523 : i32
      %mul3A_525 = arith.constant 16 : i32
      %mul3A_526 = arith.muli %and3A_524, %mul3A_525 : i32
      %swap3A_527 = arith.index_cast %shift_right_arithmetic3A_522 : i32 to index
      %swap3A_528 = arith.index_cast %mul3A_526 : i32 to index
      %swap3A_529 = tpu.vector_load %arg13[%swap3A_527, %swap3A_528] {strides = array<i32>} : memref<16x128xf32, #tpu.memory_space<vmem>>, vector<1x16xf32>,
      %swap3A_530 = vector.shape_cast %swap3A_529 : vector<1x16xf32> to vector<16xf32>
      %swap3A_531 = vector.shape_cast %add3A_520 : vector<16xf32> to vector<1x16xf32>
      tpu.vector_store %arg13[%swap3A_527, %swap3A_528], %swap3A_531 {strides = array<i32>} : memref<16x128xf32, #tpu.memory_space<vmem>>, vector<1x16xf32>,
    }
    %scan3A_76 = arith.constant 32 : i32
    %mul3A_77 = arith.constant 16 : i32
    %mul3A_78 = arith.muli %add3A, %mul3A_77 : i32
    "tpu.region"() ({
      %run_scoped3A_81 = tpu.sem_alloc : memref<!tpu.dma_semaphore, #tpu.memory_space<semaphore_mem>>
      %dma_start3A_82 = arith.constant 0 : i32
      %dma_start3A_83 = tpu.memref_slice %arg5[%mul3A_78, %dma_start3A_82] : memref<512x128xf32, #tpu.memory_space<hbm>> -> memref<16x128xf32, #tpu.memory_space<hbm>>
      %dma_start3A_84 = arith.constant 0 : i32
      %dma_start3A_85 = tpu.memref_slice %arg5[%mul3A_78, %dma_start3A_84] : memref<512x128xf32, #tpu.memory_space<hbm>> -> memref<16x128xf32, #tpu.memory_space<hbm>>
      tpu.enqueue_dma source(%arg12 : memref<16x128xf32, #tpu.memory_space<vmem>>) target(%dma_start3A_85 : memref<16x128xf32, #tpu.memory_space<hbm>>) target_semaphore(%run_scoped3A_81 : memref<!tpu.dma_semaphore, #tpu.memory_space<semaphore_mem>>)
      %dma_wait3A_86 = arith.constant 0 : i32
      %dma_wait3A_87 = tpu.memref_slice %arg5[%mul3A_78, %dma_wait3A_86] : memref<512x128xf32, #tpu.memory_space<hbm>> -> memref<16x128xf32, #tpu.memory_space<hbm>>
      %dma_wait3A_88 = arith.constant 0 : i32
      %dma_wait3A_89 = tpu.memref_slice %arg5[%mul3A_78, %dma_wait3A_88] : memref<512x128xf32, #tpu.memory_space<hbm>> -> memref<16x128xf32, #tpu.memory_space<hbm>>
      tpu.wait_dma2 semaphore(%run_scoped3A_81 : memref<!tpu.dma_semaphore, #tpu.memory_space<semaphore_mem>>) src(%arg12 : memref<16x128xf32, #tpu.memory_space<vmem>>) dst(%dma_wait3A_89 : memref<16x128xf32, #tpu.memory_space<hbm>>)
      tpu.yield
    }) : () -> ()
    %mul3A_79 = arith.constant 16 : i32
    %mul3A_80 = arith.muli %add3A, %mul3A_79 : i32
    "tpu.region"() ({
      %run_scoped3A_81 = tpu.sem_alloc : memref<!tpu.dma_semaphore, #tpu.memory_space<semaphore_mem>>
      %dma_start3A_82 = arith.constant 0 : i32
      %dma_start3A_83 = tpu.memref_slice %arg6[%mul3A_80, %dma_start3A_82] : memref<512x128xf32, #tpu.memory_space<hbm>> -> memref<16x128xf32, #tpu.memory_space<hbm>>
      %dma_start3A_84 = arith.constant 0 : i32
      %dma_start3A_85 = tpu.memref_slice %arg6[%mul3A_80, %dma_start3A_84] : memref<512x128xf32, #tpu.memory_space<hbm>> -> memref<16x128xf32, #tpu.memory_space<hbm>>
      tpu.enqueue_dma source(%arg13 : memref<16x128xf32, #tpu.memory_space<vmem>>) target(%dma_start3A_85 : memref<16x128xf32, #tpu.memory_space<hbm>>) target_semaphore(%run_scoped3A_81 : memref<!tpu.dma_semaphore, #tpu.memory_space<semaphore_mem>>)
      %dma_wait3A_86 = arith.constant 0 : i32
      %dma_wait3A_87 = tpu.memref_slice %arg6[%mul3A_80, %dma_wait3A_86] : memref<512x128xf32, #tpu.memory_space<hbm>> -> memref<16x128xf32, #tpu.memory_space<hbm>>
      %dma_wait3A_88 = arith.constant 0 : i32
      %dma_wait3A_89 = tpu.memref_slice %arg6[%mul3A_80, %dma_wait3A_88] : memref<512x128xf32, #tpu.memory_space<hbm>> -> memref<16x128xf32, #tpu.memory_space<hbm>>
      tpu.wait_dma2 semaphore(%run_scoped3A_81 : memref<!tpu.dma_semaphore, #tpu.memory_space<semaphore_mem>>) src(%arg13 : memref<16x128xf32, #tpu.memory_space<vmem>>) dst(%dma_wait3A_89 : memref<16x128xf32, #tpu.memory_space<hbm>>)
      tpu.yield
    }) : () -> ()
    return
  }
}

module attributes {stable_mosaic.version = 14 : i64} {
  func.func @_finish_body(%arg0: memref<512x128xf32, #tpu.memory_space<vmem>>, %arg1: memref<512x128xf32, #tpu.memory_space<vmem>>, %arg2: memref<1x1xf32, #tpu.memory_space<smem>>) attributes {dimension_semantics = [], scalar_prefetch = 0 : i64, scratch_operands = 0 : i64, tpu.core_type = #tpu.core_type<tc>} {
    %iota3A = tpu.iota {dimensions = array<i32: 0>} : vector<128x8xi32>
    %iota3A_0 = tpu.iota {dimensions = array<i32: 1>} : vector<128x8xi32>
    %shift_right_arithmetic3A = arith.constant 4 : i32
    %shift_right_arithmetic3A_1 = vector.broadcast %shift_right_arithmetic3A : i32 to vector<128x8xi32>
    %shift_right_arithmetic3A_2 = arith.shrsi %iota3A, %shift_right_arithmetic3A_1 : vector<128x8xi32>
    %eq3A = arith.cmpi eq, %shift_right_arithmetic3A_2, %iota3A_0 : vector<128x8xi32>
    %convert_element_type3A = arith.extui %eq3A : vector<128x8xi1> to vector<128x8xi32>
    %convert_element_type3A_3 = arith.sitofp %convert_element_type3A : vector<128x8xi32> to vector<128x8xf32>
    %get3A = arith.constant 0 : index
    %get3A_4 = arith.constant 0 : index
    %get3A_5 = vector.load %arg0[%get3A, %get3A_4] : memref<512x128xf32, #tpu.memory_space<vmem>>, vector<512x128xf32>
    %dot_general3A = arith.constant dense<0.000000e+00> : vector<512x8xf32>
    %dot_general3A_6 = tpu.matmul %get3A_5, %convert_element_type3A_3, %dot_general3A {dimension_numbers = #tpu.dot_dimension_numbers<[1], [0], [0], [1], [0, 0, 1, 1], [], []>, precision = #tpu.contract_precision<fp32>, transpose_lhs_hint = false} : vector<512x128xf32>, vector<128x8xf32>, vector<512x8xf32> -> vector<512x8xf32>
    %get3A_7 = arith.constant 0 : index
    %get3A_8 = arith.constant 0 : index
    %get3A_9 = vector.load %arg1[%get3A_7, %get3A_8] : memref<512x128xf32, #tpu.memory_space<vmem>>, vector<512x128xf32>
    %dot_general3A_10 = arith.constant dense<0.000000e+00> : vector<512x8xf32>
    %dot_general3A_11 = tpu.matmul %get3A_9, %convert_element_type3A_3, %dot_general3A_10 {dimension_numbers = #tpu.dot_dimension_numbers<[1], [0], [0], [1], [0, 0, 1, 1], [], []>, precision = #tpu.contract_precision<fp32>, transpose_lhs_hint = false} : vector<512x128xf32>, vector<128x8xf32>, vector<512x8xf32> -> vector<512x8xf32>
    %sqrt3A = math.sqrt %dot_general3A_6 : vector<512x8xf32>
    %add3A = arith.constant 2.000000e-01 : f32
    %add3A_12 = vector.broadcast %add3A : f32 to vector<512x8xf32>
    %add3A_13 = arith.addf %add3A_12, %sqrt3A : vector<512x8xf32>
    %sqrt3A_14 = math.sqrt %dot_general3A_11 : vector<512x8xf32>
    %sub3A = arith.subf %add3A_13, %sqrt3A_14 : vector<512x8xf32>
    %max3A = arith.constant 0.000000e+00 : f32
    %max3A_15 = vector.broadcast %max3A : f32 to vector<512x8xf32>
    %max3A_16 = arith.maximumf %sub3A, %max3A_15 : vector<512x8xf32>
    %reduce_sum3A = vector.shape_cast %max3A_16 : vector<512x8xf32> to vector<1x512x8xf32>
    %reduce_sum3A_17 = arith.constant dense<0.000000e+00> : vector<1xf32>
    %reduce_sum3A_18 = vector.multi_reduction <add>, %reduce_sum3A, %reduce_sum3A_17 [1, 2] : vector<1x512x8xf32> to vector<1xf32>
    %reduce_sum3A_19 = vector.shape_cast %reduce_sum3A_18 : vector<1xf32> to vector<1x1x1xf32>
    %reduce_sum3A_20 = vector.extract %reduce_sum3A_19[0, 0, 0] : f32 from vector<1x1x1xf32>
    %div3A = arith.constant 4.096000e+03 : f32
    %div3A_21 = arith.divf %reduce_sum3A_20, %div3A : f32
    %swap3A = arith.constant 0 : index
    %swap3A_22 = arith.constant 0 : index
    %swap3A_23 = memref.load %arg2[%swap3A, %swap3A_22] : memref<1x1xf32, #tpu.memory_space<smem>>
    memref.store %div3A_21, %arg2[%swap3A, %swap3A_22] : memref<1x1xf32, #tpu.memory_space<smem>>
    return
  }
}

module attributes {stable_mosaic.version = 14 : i64} {
  func.func @_mine_body(%arg0: i32, %arg1: memref<2048x128xbf16, #tpu.memory_space<vmem>>, %arg2: memref<4096x128xbf16, #tpu.memory_space<vmem>>, %arg3: memref<1x2048xi32, #tpu.memory_space<vmem>>, %arg4: memref<1x4096xi32, #tpu.memory_space<vmem>>, %arg5: memref<1x2048xi32, #tpu.memory_space<vmem>>, %arg6: memref<1x2048xi32, #tpu.memory_space<vmem>>) attributes {dimension_semantics = [#tpu.dimension_semantics<arbitrary>], iteration_bounds = array<i64: 2>, scalar_prefetch = 0 : i64, scratch_operands = 0 : i64, tpu.core_type = #tpu.core_type<tc>, window_params = [{transform_indices = @transform_0, window_bounds = array<i64: 2048, 128>}, {pipeline_mode = #tpu.pipeline_mode<synchronous>, transform_indices = @transform_1, window_bounds = array<i64: 4096, 128>}, {transform_indices = @transform_2, window_bounds = array<i64: 1, 2048>}, {pipeline_mode = #tpu.pipeline_mode<synchronous>, transform_indices = @transform_3, window_bounds = array<i64: 1, 4096>}, {transform_indices = @transform_4, window_bounds = array<i64: 1, 2048>}, {transform_indices = @transform_5, window_bounds = array<i64: 1, 2048>}]} {
    %broadcast_in_dim3A = arith.constant 1.000000e+00 : bf16
    %broadcast_in_dim3A_0 = vector.broadcast %broadcast_in_dim3A : bf16 to vector<1x128xbf16>
    %get3A = arith.constant 0 : index
    %get3A_1 = arith.constant 0 : index
    %get3A_2 = vector.load %arg2[%get3A, %get3A_1] : memref<4096x128xbf16, #tpu.memory_space<vmem>>, vector<4096x128xbf16>
    %mul3A = arith.mulf %get3A_2, %get3A_2 : vector<4096x128xbf16>
    %dot_general3A = arith.constant dense<0.000000e+00> : vector<1x4096xf32>
    %dot_general3A_3 = tpu.matmul %broadcast_in_dim3A_0, %mul3A, %dot_general3A {dimension_numbers = #tpu.dot_dimension_numbers<[1], [1], [0], [0], [0, 0, 1, 0], [], []>, transpose_lhs_hint = false} : vector<1x128xbf16>, vector<4096x128xbf16>, vector<1x4096xf32> -> vector<1x4096xf32>
    %get3A_4 = arith.constant 0 : index
    %get3A_5 = arith.constant 0 : index
    %get3A_6 = vector.load %arg1[%get3A_4, %get3A_5] : memref<2048x128xbf16, #tpu.memory_space<vmem>>, vector<2048x128xbf16>
    %convert_element_type3A = arith.extf %get3A_6 : vector<2048x128xbf16> to vector<2048x128xf32>
    %mul3A_7 = arith.mulf %convert_element_type3A, %convert_element_type3A : vector<2048x128xf32>
    %reduce_sum3A = arith.constant dense<0.000000e+00> : vector<2048xf32>
    %reduce_sum3A_8 = vector.multi_reduction <add>, %mul3A_7, %reduce_sum3A [1] : vector<2048x128xf32> to vector<2048xf32>
    %broadcast_in_dim3A_9 = vector.shape_cast %reduce_sum3A_8 : vector<2048xf32> to vector<2048x1xf32>
    %get3A_10 = arith.constant 0 : index
    %get3A_11 = arith.constant 0 : index
    %get3A_12 = vector.load %arg1[%get3A_10, %get3A_11] : memref<2048x128xbf16, #tpu.memory_space<vmem>>, vector<2048x128xbf16>
    %mul3A_13 = arith.constant -2.000000e+00 : bf16
    %mul3A_14 = vector.broadcast %mul3A_13 : bf16 to vector<2048x128xbf16>
    %mul3A_15 = arith.mulf %get3A_12, %mul3A_14 : vector<2048x128xbf16>
    %get3A_16 = arith.constant 0 : index
    %get3A_17 = arith.constant 0 : index
    %get3A_18 = vector.load %arg2[%get3A_16, %get3A_17] : memref<4096x128xbf16, #tpu.memory_space<vmem>>, vector<4096x128xbf16>
    %dot_general3A_19 = arith.constant dense<0.000000e+00> : vector<2048x4096xf32>
    %dot_general3A_20 = tpu.matmul %mul3A_15, %get3A_18, %dot_general3A_19 {dimension_numbers = #tpu.dot_dimension_numbers<[1], [1], [0], [0], [0, 0, 1, 0], [], []>, transpose_lhs_hint = false} : vector<2048x128xbf16>, vector<4096x128xbf16>, vector<2048x4096xf32> -> vector<2048x4096xf32>
    %add3A = vector.broadcast %broadcast_in_dim3A_9 : vector<2048x1xf32> to vector<2048x4096xf32>
    %add3A_21 = vector.broadcast %dot_general3A_3 : vector<1x4096xf32> to vector<2048x4096xf32>
    %add3A_22 = arith.addf %add3A, %add3A_21 : vector<2048x4096xf32>
    %add3A_23 = arith.addf %add3A_22, %dot_general3A_20 : vector<2048x4096xf32>
    %max3A = arith.constant 0.000000e+00 : f32
    %max3A_24 = vector.broadcast %max3A : f32 to vector<2048x4096xf32>
    %max3A_25 = arith.maximumf %add3A_23, %max3A_24 : vector<2048x4096xf32>
    %bitcast_convert_type3A = tpu.bitcast %max3A_25 : vector<2048x4096xf32> -> vector<2048x4096xi32>
    %and3A = arith.constant 2147479552 : i32
    %and3A_26 = vector.broadcast %and3A : i32 to vector<2048x4096xi32>
    %and3A_27 = arith.andi %bitcast_convert_type3A, %and3A_26 : vector<2048x4096xi32>
    %get3A_28 = arith.constant 0 : index
    %get3A_29 = arith.constant 0 : index
    %get3A_30 = vector.load %arg3[%get3A_28, %get3A_29] : memref<1x2048xi32, #tpu.memory_space<vmem>>, vector<1x2048xi32>
    %reshape3A = vector.shape_cast %get3A_30 : vector<1x2048xi32> to vector<2048x1xi32>
    %get3A_31 = arith.constant 0 : index
    %get3A_32 = arith.constant 0 : index
    %get3A_33 = vector.load %arg4[%get3A_31, %get3A_32] : memref<1x4096xi32, #tpu.memory_space<vmem>>, vector<1x4096xi32>
    %eq3A = vector.broadcast %reshape3A : vector<2048x1xi32> to vector<2048x4096xi32>
    %eq3A_34 = vector.broadcast %get3A_33 : vector<1x4096xi32> to vector<2048x4096xi32>
    %eq3A_35 = arith.cmpi eq, %eq3A, %eq3A_34 : vector<2048x4096xi32>
    %iota3A = tpu.iota {dimensions = array<i32: 1>} : vector<2048x4096xi32>
    %sub3A = arith.constant 4095 : i32
    %sub3A_36 = vector.broadcast %sub3A : i32 to vector<2048x4096xi32>
    %sub3A_37 = arith.subi %sub3A_36, %iota3A : vector<2048x4096xi32>
    %or3A = arith.ori %and3A_27, %sub3A_37 : vector<2048x4096xi32>
    %bitcast_convert_type3A_38 = tpu.bitcast %or3A : vector<2048x4096xi32> -> vector<2048x4096xf32>
    %jit3A = arith.constant 0xFF800000 : f32
    %broadcast_in_dim3A_39 = vector.broadcast %jit3A : f32 to vector<2048x4096xf32>
    %select_n3A = arith.select %eq3A_35, %bitcast_convert_type3A_38, %broadcast_in_dim3A_39 : vector<2048x4096xi1>, vector<2048x4096xf32>
    %reduce_max3A = arith.constant dense<0xFF800000> : vector<2048xf32>
    %reduce_max3A_40 = vector.multi_reduction <maximumf>, %select_n3A, %reduce_max3A [1] : vector<2048x4096xf32> to vector<2048xf32>
    %broadcast_in_dim3A_41 = vector.shape_cast %reduce_max3A_40 : vector<2048xf32> to vector<2048x1xf32>
    %reshape3A_42 = vector.shape_cast %broadcast_in_dim3A_41 : vector<2048x1xf32> to vector<1x2048xf32>
    %bitcast_convert_type3A_43 = tpu.bitcast %reshape3A_42 : vector<1x2048xf32> -> vector<1x2048xi32>
    %lt3A = arith.constant 4096 : i32
    %lt3A_44 = vector.broadcast %lt3A : i32 to vector<1x2048xi32>
    %lt3A_45 = arith.cmpi slt, %bitcast_convert_type3A_43, %lt3A_44 : vector<1x2048xi32>
    %and3A_46 = arith.constant 4095 : i32
    %and3A_47 = vector.broadcast %and3A_46 : i32 to vector<1x2048xi32>
    %and3A_48 = arith.andi %bitcast_convert_type3A_43, %and3A_47 : vector<1x2048xi32>
    %sub3A_49 = arith.constant 4095 : i32
    %sub3A_50 = vector.broadcast %sub3A_49 : i32 to vector<1x2048xi32>
    %sub3A_51 = arith.subi %sub3A_50, %and3A_48 : vector<1x2048xi32>
    %jit3A_52 = arith.constant 0 : i32
    %broadcast_in_dim3A_53 = vector.broadcast %jit3A_52 : i32 to vector<1x2048xi32>
    %select_n3A_54 = arith.select %lt3A_45, %broadcast_in_dim3A_53, %sub3A_51 : vector<1x2048xi1>, vector<1x2048xi32>
    %swap3A = arith.constant 0 : index
    %swap3A_55 = arith.constant 0 : index
    %swap3A_56 = vector.load %arg5[%swap3A, %swap3A_55] : memref<1x2048xi32, #tpu.memory_space<vmem>>, vector<1x2048xi32>
    tpu.vector_store %arg5[%swap3A, %swap3A_55], %select_n3A_54 {strides = array<i32>} : memref<1x2048xi32, #tpu.memory_space<vmem>>, vector<1x2048xi32>,
    %or3A_57 = arith.ori %and3A_27, %iota3A : vector<2048x4096xi32>
    %bitcast_convert_type3A_58 = tpu.bitcast %or3A_57 : vector<2048x4096xi32> -> vector<2048x4096xf32>
    %jit3A_59 = arith.constant 0x7F800000 : f32
    %broadcast_in_dim3A_60 = vector.broadcast %jit3A_59 : f32 to vector<2048x4096xf32>
    %select_n3A_61 = arith.select %eq3A_35, %broadcast_in_dim3A_60, %bitcast_convert_type3A_58 : vector<2048x4096xi1>, vector<2048x4096xf32>
    %reduce_min3A = arith.constant dense<0x7F800000> : vector<2048xf32>
    %reduce_min3A_62 = vector.multi_reduction <minimumf>, %select_n3A_61, %reduce_min3A [1] : vector<2048x4096xf32> to vector<2048xf32>
    %broadcast_in_dim3A_63 = vector.shape_cast %reduce_min3A_62 : vector<2048xf32> to vector<2048x1xf32>
    %reshape3A_64 = vector.shape_cast %broadcast_in_dim3A_63 : vector<2048x1xf32> to vector<1x2048xf32>
    %bitcast_convert_type3A_65 = tpu.bitcast %reshape3A_64 : vector<1x2048xf32> -> vector<1x2048xi32>
    %is_finite3A = tpu.weird %reshape3A_64 : vector<1x2048xf32> -> vector<1x2048xi1>
    %is_finite3A_66 = arith.constant dense<true> : vector<1x2048xi1>
    %is_finite3A_67 = arith.xori %is_finite3A, %is_finite3A_66 : vector<1x2048xi1>
    %and3A_68 = arith.constant 4095 : i32
    %and3A_69 = vector.broadcast %and3A_68 : i32 to vector<1x2048xi32>
    %and3A_70 = arith.andi %bitcast_convert_type3A_65, %and3A_69 : vector<1x2048xi32>
    %jit3A_71 = arith.constant 0 : i32
    %broadcast_in_dim3A_72 = vector.broadcast %jit3A_71 : i32 to vector<1x2048xi32>
    %select_n3A_73 = arith.select %is_finite3A_67, %and3A_70, %broadcast_in_dim3A_72 : vector<1x2048xi1>, vector<1x2048xi32>
    %swap3A_74 = arith.constant 0 : index
    %swap3A_75 = arith.constant 0 : index
    %swap3A_76 = vector.load %arg6[%swap3A_74, %swap3A_75] : memref<1x2048xi32, #tpu.memory_space<vmem>>, vector<1x2048xi32>
    tpu.vector_store %arg6[%swap3A_74, %swap3A_75], %select_n3A_73 {strides = array<i32>} : memref<1x2048xi32, #tpu.memory_space<vmem>>, vector<1x2048xi32>,
    return
  }
  func.func @transform_0(%arg0: i32) -> (i32, i32) {
    %c0_i32 = arith.constant 0 : i32
    %c0_i32_0 = arith.constant 0 : i32
    return %arg0, %c0_i32 : i32, i32
  }
  func.func @transform_1(%arg0: i32) -> (i32, i32) {
    %c0_i32 = arith.constant 0 : i32
    %c0_i32_0 = arith.constant 0 : i32
    %c0_i32_1 = arith.constant 0 : i32
    return %c0_i32, %c0_i32_0 : i32, i32
  }
  func.func @transform_2(%arg0: i32) -> (i32, i32) {
    %c0_i32 = arith.constant 0 : i32
    %c0_i32_0 = arith.constant 0 : i32
    return %c0_i32, %arg0 : i32, i32
  }
  func.func @transform_3(%arg0: i32) -> (i32, i32) {
    %c0_i32 = arith.constant 0 : i32
    %c0_i32_0 = arith.constant 0 : i32
    %c0_i32_1 = arith.constant 0 : i32
    return %c0_i32, %c0_i32_0 : i32, i32
  }
  func.func @transform_4(%arg0: i32) -> (i32, i32) {
    %c0_i32 = arith.constant 0 : i32
    %c0_i32_0 = arith.constant 0 : i32
    return %c0_i32, %arg0 : i32, i32
  }
  func.func @transform_5(%arg0: i32) -> (i32, i32) {
    %c0_i32 = arith.constant 0 : i32
    %c0_i32_0 = arith.constant 0 : i32
    return %c0_i32, %arg0 : i32, i32
  }
}

</mosaic_0001>

<sc_bundles>
// kernel: kernel.5.cloned.1.call-start
scs
__scs_entry_jumppad:
0x0: {  	(pc) =	sbr.rel $0x88, $3  }
0x1: {  	(tag) =	ssettag $0x0;
	lr =	simm.s32 $0x1  }
0x2: {  	[smem:$0x3F9F] =	sst lr;
	_ =	strace $0xD0000000  }
0x3: {  	_ = 	snop  }
0x4: {  	_ = 	snop  }
0x5: {  	_ = 	snop  }
0x6: {  	_ = 	snop  }
0x7: {  	_ = 	snop  }
__scs_overlays_trampoline_lowered:
0x8: {  	[smem:$0x3FAE] =	sst s0  }
0x9: {  	[smem:$0x3FAF] =	sst s1  }
0xa: {  	[smem:$0x3FB0] =	sst s2  }
0xb: {  	[smem:$0x3FB1] =	sst s3  }
0xc: {  	[smem:$0x3FB2] =	sst s4  }
0xd: {  	[smem:$0x3FB3] =	sst s5  }
0xe: {  	[smem:$0x3FB4] =	sst s6  }
0xf: {  	[smem:$0x3FB5] =	sst s7  }
0x10: {  	[smem:$0x3FB6] =	sst s8  }
0x11: {  	[smem:$0x3FB7] =	sst s9;
	s0 =	simm.s32 @!p0 $0x0  }
0x12: {  	s1 =	sld [smem:$0x3F9D];
	s0 =	simm.s32 @p0 $0x1  }
0x13: {  	[smem:$0x3FB8] =	sst s0;
	s0 =	simm.s32 @!p1 $0x0  }
0x14: {  	s2 =	sld [smem:$0x3F9C];
	s0 =	simm.s32 @p1 $0x1  }
0x15: {  	[smem:$0x3FB9] =	sst s0;
	s0 =	simm.s32 @!p2 $0x0  }
0x16: {  	s3 =	sld [smem:$0x3FDB];
	s0 =	simm.s32 @p2 $0x1  }
0x17: {  	s4 =	simm.s32 $0x1BF5;
	[smem:$0x3FBB] =	sst s0  }
0x18: {  	s0 =	sld [smem:$0x3F9E];
	_ =	swait.ge [sflag:s4], $0x0  }
0x19: {  	s7 =	sld [smem:$0x3F9F]  }
0x1a: {  	s8 =	sadd.s32 $0xFFFFE003, lr  }
0x1b: {  	s9 =	sadd.s32 $0xFFFFFEF7, lr;
	s5 =	simm.s32 $0xFFFFFFFF;
	p2 =	slt.u32 s8, $0xFFFFF086  }
0x1c: {  	p1 =	slt.u32 s9, $0xF7A;
	s5 =	simm.s32 @!p2 $0x0  }
0x1d: {  	s5 =	simm.s32 @p1 $0x1;
	p0 =	seq.s32 s7, s2  }
0x1e: {  	s7 =	smul.u32 @!p0 $0xF7A, s2;
	p2 =	seq.s32 @!p0 s5, $0x0  }
0x1f: {  	s9 =	smul.u32 $0xF7A, s1;
	s8 =	simm.s32 @!p0 $0x1BF5;
	p2 =	por !p2, p0  }
0x20: {  	[sflag:s8] =	ssyncset.s32 @!p0 $0xFFFFF086;
	s6 =	sadd.s32 @!p0 s3, s7;
	s7 =	simm.s32 @!p0 $0x108  }
0x21: {  	s3 =	sadd.s32 s3, s9;
	s6 =	sadd.s32 @!p0 $0x88, s6;
	s7 =	simm.s32 @p2 $0x1082  }
0x22: {  	[simem:s7], [sflag:s8] =	dma.local @!p0 [hbm:s6], $0xF7A  }
0x23: {  	s9 =	sor.u32 $0xD0000000, s2;
	s6 =	simm.s32 $0x108;
	_ =	swait.ge @!p0 [sflag:s8], $0x0  }
0x24: {  	s3 =	sadd.s32 $0x88, s3;
	s6 =	simm.s32 @!p1 $0x1082;
	[sflag:s4] =	ssyncset.s32 $0xFFFFF086  }
0x25: {  	[simem:s6], [sflag:s4] =	dma.local [hbm:s3], $0xF7A  }
0x26: {  	[smem:$0x3F9F] =	sst s1;
	(tag) =	ssettag s2;
	_ =	strace s9  }
0x27: {  	s1 =	sld [smem:$0x3FAF]  }
0x28: {  	s2 =	sld [smem:$0x3FB0]  }
0x29: {  	s4 =	sld [smem:$0x3FB2]  }
0x2a: {  	p0 =	seq.s32 s5, $0x0;
	s5 =	sld [smem:$0x3FB3]  }
0x2b: {  	s6 =	sld [smem:$0x3FB4]  }
0x2c: {  	s7 =	sld [smem:$0x3FB5]  }
0x2d: {  	s3 =	simm.s32 $0x108;
	s8 =	sld [smem:$0x3FB6]  }
0x2e: {  	s3 =	simm.s32 @!p0 $0x1082;
	s9 =	sld [smem:$0x3FB7]  }
0x2f: {  	lr =	sadd.s32 s0, s3;
	s0 =	sld [smem:$0x3FAE]  }
0x30: {  	s3 =	sld [smem:$0x3FB1]  }
0x31: {  	[smem:$0x3FBA] =	sst s10  }
0x32: {  	s10 =	sld [smem:$0x3FB8];
	_ =	sdelay $0x3  }
0x33: {  	p0 =	seq.s32 s10, $0x1;
	s10 =	sld [smem:$0x3FBA];
	_ =	sdelay $0x3  }
0x34: {  	[smem:$0x3FBA] =	sst s10  }
0x35: {  	s10 =	sld [smem:$0x3FB9];
	_ =	sdelay $0x3  }
0x36: {  	p1 =	seq.s32 s10, $0x1;
	s10 =	sld [smem:$0x3FBA];
	_ =	sdelay $0x3  }
0x37: {  	[smem:$0x3FBA] =	sst s10  }
0x38: {  	s10 =	sld [smem:$0x3FBB]  }
0x39: {  	_ = 	snop;
	(pc) =	sbr.ind lr, $3  }
0x3a: {  	_ = 	snop  }
0x3b: {  	_ = 	snop  }
0x3c: {  	p2 =	seq.s32 s10, $0x1;
	s10 =	sld [smem:$0x3FBA]  }
0x3d: {  	_ =	shalt  }
0x3e: {  	_ =	shalt  }
0x3f: {  	_ =	shalt  }
0x40: {  	_ =	shalt  }
0x41: {  	_ =	shalt  }
0x42: {  	_ =	shalt  }
0x43: {  	_ =	shalt  }
0x44: {  	_ =	shalt  }
0x45: {  	_ =	shalt  }
0x46: {  	_ =	shalt  }
0x47: {  	_ =	shalt  }
0x48: {  	_ =	shalt  }
0x49: {  	_ =	shalt  }
0x4a: {  	_ =	shalt  }
0x4b: {  	_ =	shalt  }
0x4c: {  	_ =	shalt  }
0x4d: {  	_ =	shalt  }
0x4e: {  	_ =	shalt  }
0x4f: {  	_ =	shalt  }
0x50: {  	_ =	shalt  }
0x51: {  	_ =	shalt  }
0x52: {  	_ =	shalt  }
0x53: {  	_ =	shalt  }
0x54: {  	_ =	shalt  }
0x55: {  	_ =	shalt  }
0x56: {  	_ =	shalt  }
0x57: {  	_ =	shalt  }
0x58: {  	_ =	shalt  }
0x59: {  	_ =	shalt  }
0x5a: {  	_ =	shalt  }
0x5b: {  	_ =	shalt  }
0x5c: {  	_ =	shalt  }
0x5d: {  	_ =	shalt  }
0x5e: {  	_ =	shalt  }
0x5f: {  	_ =	shalt  }
0x60: {  	_ =	shalt  }
0x61: {  	_ =	shalt  }
0x62: {  	_ =	shalt  }
0x63: {  	_ =	shalt  }
0x64: {  	_ =	shalt  }
0x65: {  	_ =	shalt  }
0x66: {  	_ =	shalt  }
0x67: {  	_ =	shalt  }
0x68: {  	_ =	shalt  }
0x69: {  	_ =	shalt  }
0x6a: {  	_ =	shalt  }
0x6b: {  	_ =	shalt  }
0x6c: {  	_ =	shalt  }
0x6d: {  	_ =	shalt  }
0x6e: {  	_ =	shalt  }
0x6f: {  	_ =	shalt  }
0x70: {  	_ =	shalt  }
0x71: {  	_ =	shalt  }
0x72: {  	_ =	shalt  }
0x73: {  	_ =	shalt  }
0x74: {  	_ =	shalt  }
0x75: {  	_ =	shalt  }
0x76: {  	_ =	shalt  }
0x77: {  	_ =	shalt  }
0x78: {  	_ =	shalt  }
0x79: {  	_ =	shalt  }
0x7a: {  	_ =	shalt  }
0x7b: {  	_ =	shalt  }
0x7c: {  	_ =	shalt  }
0x7d: {  	_ =	shalt  }
0x7e: {  	_ =	shalt  }
0x7f: {  	_ =	shalt  }
0x80: {  	_ =	shalt  }
0x81: {  	_ =	shalt  }
0x82: {  	_ =	shalt  }
0x83: {  	_ =	shalt  }
0x84: {  	_ =	shalt  }
0x85: {  	_ =	shalt  }
0x86: {  	_ =	shalt  }
0x87: {  	_ =	shalt  }
.Lfunc_end0:
.L_simem_size_0:
called_computation_lowered:
.L_overlay_start_0:
0x88: {  	s2 =	sld [smem:$0x3FD9]  }
0x89: {  	s3 =	sld [smem:$0x3FFE];
	_ =	sdelay $0x1  }
0x8a: {  	s1 =	srdreg.scid  }
0x8b: {  	s0 =	sand.u32 $0x1, s1  }
0x8c: {  	s17 =	sshll.u32 s0, $0xA;
	s2 =	sadd.s32 s3, s2  }
0x8d: {  	s2 =	sadd.s32 s2, s17  }
0x8e: {  	[smem:$0x3FC6] =	sst s2  }
0x8f: {  	_ = 	snop  }
0x90: {  	s2 =	sld [smem:$0x3FC9];
	(tm) =	ssettm $0x1  }
0x91: {  	s18 =	sld [smem:$0x3FFB];
	_ =	sdelay $0x3  }
0x92: {  	_ =	strace s18  }
0x93: {  	s3 =	sld [smem:$0x3FFC];
	_ =	sdelay $0x3  }
0x94: {  	_ =	strace s3  }
0x95: {  	s3 =	sld [smem:$0x3FFD];
	_ =	sdelay $0x3  }
0x96: {  	_ =	strace s3  }
0x97: {  	_ =	strace $0x8FFFFFFF  }
0x98: {  	s19 =	sld [smem:$0x3FDB];
	_ =	sdelay $0x1  }
0x99: {  	s4 =	simm.s32 $_scs_section_size  }
0x9a: {  	s5 =	simm.s32 $_size__tile_overlayer_lowered;
	s6 =	simm.s32 $_tile_overlayer_lowered  }
0x9b: {  	s22 =	simm.s32 $0x1BFF;
	s21 =	sshll.u32 s6, $0x1;
	s3 =	sadd.s32 s4, s19  }
0x9c: {  	s7 =	simm.s32 $0x0;
	s20 =	sshll.u32 s5, $0x1;
	s5 =	sadd.s32 s21, s3  }
0x9d: {  	[timem:s7], [sflag:s22] =	dma.local [hbm:s5], s20  }
0x9e: {  	_ =	swait.ge [sflag:s22], s20  }
0x9f: {  	s4 =	ssub.s32 $0x0, s20;
	[sflag:s22] =	ssyncset.done $0x0  }
0xa0: {  	[sflag:s22] =	ssyncadd.s32 s4;
	_ =	sdelay $0x1  }
0xa1: {  	s23 =	simm.s32 $0x1B8B  }
0xa2: {  	_ =	swait.ge [sflag:s23], $0x1  }
0xa3: {  	[sflag:s23] =	ssyncset.done $0x0  }
0xa4: {  	s25 =	simm.s32 $0x1B8E;
	s24 =	sld [smem:$0x3FFE];
	[sflag:s23] =	ssyncadd.s32 $0xFFFFFFFF  }
0xa5: {  	s26 =	simm.s32 $execute0_lowered;
	[smem:$0x3FD2] =	sst s25  }
0xa6: {  	s5 =	sshll.u32 s26, $0x1;
	_ =	strace $0x80000046;
	[dreg:$0x1] =	wrdreg $0xFFFFFFFF  }
0xa7: {  	s28 =	simm.s32 $_size_execute0_lowered;
	s3 =	sadd.s32 s3, s5;
	[dreg:$0x0] =	wrdreg $0x0  }
0xa8: {  	s5 =	sshll.u32 s28, $0x1;
	[dreg:$0x2] =	wrdreg s3  }
0xa9: {  	[dreg:$0x3] =	wrdreg s5  }
0xaa: {  	[dreg:$0x4] =	wrdreg $0xC0  }
0xab: {  	_ =	task [dreg:s7], $0x5FFFF  }
0xac: {  	[dreg:$0x1] =	wrdreg $0xFFFFFFFF  }
0xad: {  	[dreg:$0x0] =	wrdreg $0x60  }
0xae: {  	[dreg:$0x2] =	wrdreg s2  }
0xaf: {  	[dreg:$0x3] =	wrdreg s24  }
0xb0: {  	[dreg:$0x4] =	wrdreg $0x9  }
0xb1: {  	_ =	task.clear_ibuf [dreg:s7], $0x5FFFF;
	_ =	strace $0x90000046  }
0xb2: {  	s29 =	simm.s32 $0x9;
	_ =	strace $0x80000048  }
0xb3: {  	_ =	swait.ge [sflag:s29], $0x1  }
0xb4: {  	[sflag:s29] =	ssyncadd.s32 $0xFFFFFFFF  }
0xb5: {  	_ =	strace $0x90000048  }
0xb6: {  	_ =	sfence  }
0xb7: {  	s30 =	sld [smem:$0x0];
	_ =	sdelay $0x2  }
0xb8: {  	s31 =	sshll.u32 s1, $0xD;
	s1 =	sshrl.u32 s1, $0x2  }
0xb9: {  	s3 =	sand.u32 $0x4000, s31;
	s1 =	sadd.s32 s1, s30  }
0xba: {  	s0 =	sor.u32 s3, s0;
	s1 =	sshll.u32 s1, $0x11  }
0xbb: {  	s0 =	sor.u32 s1, s0  }
0xbc: {  	s0 =	sadd.s32 $0x8F2B, s0  }
0xbd: {  	[sflag:s0] =	ssyncadd.remote.s32 $0x1  }
0xbe: {  	_ =	sfence.sel $0xFFFF  }
0xbf: {  	[dreg:$0x0] =	wrdreg $0xFFFFFFFF;
	(pc) =	sbr.abs _section_cstart, $3  }
0xc0: {  	[dreg:$0x1] =	wrdreg $0xFFFFFFFF  }
0xc1: {  	_ =	task.clear_ibuf [dreg:s7], $0x2FFFF;
	_ =	strace $0x9FFFFFFF  }
0xc2: {  	(tm) =	ssettm $0x7FFFFFFF  }
0xc3: {  	_ =	shalt  }
tec
execute0_lowered:
.L_overlay_start_1:
0x0: {  	(tag) =	ssettag $0x1  }
0x1: {  	s1 =	rddreg [dreg:$0x0]  }
0x2: {  	s0 =	rddreg [dreg:$0x1];
	s3 =	simm.s32 $0x0;
	s2 =	srdreg.scid  }
0x3: {  	s4 =	stileid.u32;
	s10 =	simm.s32 $0x5;
	s11 =	simm.s32 $0x80  }
0x4: {  	s12 =	simm.s32 $0x40;
	s19 =	simm.s32 $0x1;
	s20 =	simm.s32 $0x2  }
0x5: {  	s21 =	simm.s32 $0x3;
	s22 =	simm.s32 $0x4;
	s23 =	simm.s32 $0xC100  }
0x6: {  	s24 =	simm.s32 $0xC900;
	s2 =	sand.u32 $0x1, s2;
	s4 =	sshll.u32 s4, $0x1  }
0x7: {  	s25 =	simm.s32 $0x0;
	[smem:$0x7FF] =	sst s3;
	s5 =	sor.u32 s2, s4  }
0x8: {  	_ =	strace $0x80000047;
	s2 =	ssub.s32 $0x2, s2;
	s4 =	sshll.u32 s5, $0x4  }
0x9: {  	s6 =	sshll.u32 s5, $0x8;
	s30 =	sshrl.u32 s2, $0x1;
	s31 =	sshll.u32 s5, $0xB  }
0xa: {  	s7 =	sadd.s32 s4, s0;
	s0 =	sadd.s32 s6, s0;
	s2 =	ssub.s32 s2, s30  }
0xb: {  	s6 =	sadd.s32 s1, s31;
	s4 =	sadd.s32 $0x1400, s7;
	s5 =	sadd.s32 $0x1600, s7  }
0xc: {  	s7 =	sadd.s32 $0x1800, s0;
	s8 =	sadd.s32 $0x3800, s0;
	s9 =	smax.u32 s2, $0x1  }
.LBB2_1:
0xd: {  	[tilespmem:s3], [sflag:$0x5] =	stream.linear.gather [hbm4b:s4+s3], $0x80, $0x38;
	[tilespmem:$0xD100] =	vst v63  }
0xe: {  	_ =	swait.ge [sflag:s10], $0x80  }
0xf: {  	[sflag:s10] =	ssyncset.done $0x0  }
0x10: {  	[sflag:s10] =	ssyncadd.s32 $0xFFFFFF80  }
0x11: {  	[tilespmem:s11], [sflag:$0x5] =	stream.linear.gather [hbm4b:s5+s3], $0x80, $0x38;
	[tilespmem:$0xD100] =	vst v63  }
0x12: {  	_ =	swait.ge [sflag:s10], $0x80  }
0x13: {  	[sflag:s10] =	ssyncset.done $0x0  }
0x14: {  	s0 =	simm.s32 $0x4100;
	[sflag:s10] =	ssyncadd.s32 $0xFFFFFF80  }
0x15: {  	[tilespmem:s0], [sflag:$0x1] =	stream.indirect.gather [hbm4b:s1+s12], $0x80, s3, s12, $0xb8;
	[tilespmem:$0xD100] =	vst v63  }
0x16: {  	s16 =	simm.s32 $0x8100  }
0x17: {  	[tilespmem:s16], [sflag:$0x2] =	stream.indirect.gather [hbm4b:s1+s12], $0x80, s11, s12, $0xb8;
	[tilespmem:$0xD100] =	vst v63  }
0x18: {  	s17 =	simm.s32 $0x6100  }
0x19: {  	[tilespmem:s17], [sflag:$0x3] =	stream.indirect.gather [hbm4b:s1+s12], $0x80, s12, s12, $0xb8;
	[tilespmem:$0xD100] =	vst v63  }
0x1a: {  	s18 =	simm.s32 $0xC0;
	s2 =	simm.s32 $0xA100  }
0x1b: {  	[tilespmem:s2], [sflag:$0x4] =	stream.indirect.gather [hbm4b:s1+s12], $0x80, s18, s12, $0xb8;
	[tilespmem:$0xD100] =	vst v63  }
0x1c: {  	s26 =	simm.s32 $0x100  }
0x1d: {  	[tilespmem:s26], [sflag:$0x5] =	stream.linear.gather [hbm4b:s6+s3], $0x4000, $0x38;
	[tilespmem:$0xD100] =	vst v63  }
0x1e: {  	_ =	swait.ge [sflag:s10], $0x4000  }
0x1f: {  	[sflag:s10] =	ssyncset.done $0x0  }
0x20: {  	[sflag:s10] =	ssyncadd.s32 $0xFFFFC000  }
0x21: {  	_ =	swait.ge [sflag:s19], $0x2000  }
0x22: {  	[sflag:s19] =	ssyncset.done $0x0  }
0x23: {  	[sflag:s19] =	ssyncadd.s32 $0xFFFFE000  }
0x24: {  	_ =	swait.ge [sflag:s20], $0x2000  }
0x25: {  	[sflag:s20] =	ssyncset.done $0x0  }
0x26: {  	s29 =	simm.s32 $0x8180;
	[sflag:s20] =	ssyncadd.s32 $0xFFFFE000  }
0x27: {  	s26 =	simm.s32 $0x4180;
	v0 =	vld [tilespmem:s29+$0xFFFFFFE0]  }
0x28: {  	v1 =	vld [tilespmem:s26+$0xFFFFFFC0]  }
0x29: {  	s28 =	simm.s32 $0x180;
	v2 =	vld [tilespmem:s29+$0xFFFFFFC0]  }
0x2a: {  	v3 =	vld [tilespmem:s28+$0xFFFFFFC0]  }
0x2b: {  	v4 =	vld [tilespmem:s28+$0xFFFFFF80]  }
0x2c: {  	v5 =	vld [tilespmem:s29+$0xFFFFFF80]  }
0x2d: {  	v6 =	vld [tilespmem:s29+$0xFFFFFFB0]  }
0x2e: {  	v7 =	vld [tilespmem:s26+$0xFFFFFFB0]  }
0x2f: {  	v8 =	vld [tilespmem:s29+$0xFFFFFFA0]  }
0x30: {  	v9 =	vld [tilespmem:s28+$0xFFFFFFB0]  }
0x31: {  	v10 =	vld [tilespmem:s26+$0xFFFFFFA0]  }
0x32: {  	v11 =	vld [tilespmem:s28+$0xFFFFFFA0]  }
0x33: {  	v13 =	vld [tilespmem:s26+$0xFFFFFF80]  }
0x34: {  	v16 =	vld [tilespmem:s28+$0xFFFFFFE0]  }
0x35: {  	v1 =	vsub.f32 v3, v1  }
0x36: {  	v12 =	vld [tilespmem:s28+$0xFFFFFF90];
	v2 =	vsub.f32 v3, v2;
	v5 =	vsub.f32 v4, v5  }
0x37: {  	v14 =	vld [tilespmem:s29+$0xFFFFFF90];
	v7 =	vsub.f32 v9, v7;
	v6 =	vsub.f32 v9, v6  }
0x38: {  	v15 =	vld [tilespmem:s26+$0xFFFFFFD0];
	v10 =	vsub.f32 v11, v10;
	v8 =	vsub.f32 v11, v8  }
0x39: {  	v3 =	vld [tilespmem:s26+$0xFFFFFF90];
	v4 =	vsub.f32 v4, v13;
	v0 =	vsub.f32 v16, v0  }
0x3a: {  	v9 =	vld [tilespmem:s28+$0xFFFFFFD0];
	v1 =	vadd.f32 $9.999999970e-07, v1;
	v2 =	vadd.f32 $9.999999970e-07, v2  }
0x3b: {  	v11 =	vld [tilespmem:s29+$0xFFFFFFD0];
	v5 =	vadd.f32 $9.999999970e-07, v5;
	v7 =	vadd.f32 $9.999999970e-07, v7  }
0x3c: {  	v6 =	vadd.f32 $9.999999970e-07, v6;
	v4 =	vadd.f32 $9.999999970e-07, v4  }
0x3d: {  	v61 =	vld [tilespmem:s26+$0xFFFFFFF0];
	v10 =	vadd.f32 $9.999999970e-07, v10;
	v8 =	vadd.f32 $9.999999970e-07, v8  }
0x3e: {  	v62 =	vld [tilespmem:s26+$0xFFFFFFE0];
	v0 =	vadd.f32 $9.999999970e-07, v0;
	v5 =	vmul.f32 v5, v5;
	v4 =	vmul.f32 v4, v4  }
0x3f: {  	v63 =	vld [tilespmem:s28+$0xFFFFFFF0];
	v10 =	vmul.f32 v10, v10;
	v3 =	vsub.f32 v12, v3;
	v12 =	vsub.f32 v12, v14  }
0x40: {  	v8 =	vmul.f32 v8, v8;
	v11 =	vsub.f32 v9, v11;
	v9 =	vsub.f32 v9, v15  }
0x41: {  	v17 =	vld [tilespmem:s29+$0xFFFFFFF0];
	v1 =	vmul.f32 v1, v1;
	v4 =	vadd.f32 v10, v4;
	v3 =	vadd.f32 $9.999999970e-07, v3  }
0x42: {  	v7 =	vmul.f32 v7, v7;
	v5 =	vadd.f32 v8, v5;
	v12 =	vadd.f32 $9.999999970e-07, v12  }
0x43: {  	v1 =	vadd.f32 v1, v4;
	v4 =	vsub.f32 v16, v62;
	v3 =	vmul.f32 v3, v3  }
0x44: {  	v6 =	vmul.f32 v6, v6;
	v10 =	vsub.f32 v63, v61;
	v9 =	vadd.f32 $9.999999970e-07, v9  }
0x45: {  	v8 =	vmul.f32 v12, v12;
	v4 =	vadd.f32 $9.999999970e-07, v4;
	v3 =	vadd.f32 v7, v3  }
0x46: {  	v2 =	vmul.f32 v2, v2;
	v7 =	vadd.f32 $9.999999970e-07, v11;
	v11 =	vsub.f32 v63, v17  }
0x47: {  	v6 =	vadd.f32 v6, v8;
	v8 =	vmul.f32 v9, v9;
	v9 =	vadd.f32 $9.999999970e-07, v10  }
0x48: {  	v2 =	vadd.f32 v2, v5;
	v7 =	vmul.f32 v7, v7;
	v5 =	vadd.f32 $9.999999970e-07, v11  }
0x49: {  	v4 =	vmul.f32 v4, v4;
	v3 =	vadd.f32 v8, v3;
	v8 =	vmul.f32 v9, v9  }
0x4a: {  	v0 =	vmul.f32 v0, v0;
	v6 =	vadd.f32 v7, v6;
	v5 =	vmul.f32 v5, v5  }
0x4b: {  	v1 =	vadd.f32 v4, v1;
	v3 =	vadd.f32 v8, v3  }
0x4c: {  	v0 =	vadd.f32 v0, v2;
	v2 =	vadd.f32 v5, v6  }
0x4d: {  	v1 =	vadd.f32 v3, v1  }
0x4e: {  	v0 =	vadd.f32 v2, v0  }
0x4f: {  	[tilespmem:s23+$0x0] =	vst v1  }
0x50: {  	[tilespmem:s24+$0x0] =	vst v0  }
0x51: {  	v0 =	vld [tilespmem:s29+$0x50]  }
0x52: {  	v2 =	vld [tilespmem:s26+$0x50]  }
0x53: {  	v1 =	vld [tilespmem:s29+$0x0]  }
0x54: {  	v4 =	vld [tilespmem:s26+$0x10]  }
0x55: {  	v3 =	vld [tilespmem:s28+$0x30]  }
0x56: {  	v9 =	vld [tilespmem:s26+$0x30]  }
0x57: {  	v5 =	vld [tilespmem:s28+$0x20]  }
0x58: {  	v7 =	vld [tilespmem:s26+$0x20]  }
0x59: {  	v6 =	vld [tilespmem:s29+$0x10]  }
0x5a: {  	s31 =	simm.s32 $0x20;
	v11 =	vld [tilespmem:s29+$0x20]  }
0x5b: {  	s13 =	simm.s32 $0xC100;
	s14 =	simm.s32 $0xC900;
	s15 =	simm.s32 $0x180;
	v8 =	vld [tilespmem:s28+$0x10]  }
0x5c: {  	s30 =	simm.s32 $0x0;
	s0 =	simm.s32 $0x4280;
	s2 =	simm.s32 $0x8280;
	v10 =	vld [tilespmem:s29+$0x30];
	v9 =	vsub.f32 v3, v9  }
.LBB2_2:
0x5d: {  	v12 =	vld [tilespmem:s28+$0x50];
	s13 =	sadd.s32 $0x20, s13;
	s14 =	sadd.s32 $0x20, s14;
	s15 =	sadd.s32 $0x100, s15  }
0x5e: {  	p0 =	sne.s32 s31, $0x3E0;
	s16 =	smov.u32 s31;
	s31 =	sadd.s32 $0x20, s31;
	v13 =	vld [tilespmem:s28+$0x0]  }
0x5f: {  	v7 =	vsub.f32 v5, v7;
	v5 =	vsub.f32 v5, v11;
	v11 =	vld [tilespmem:s28+$0x70]  }
0x60: {  	v4 =	vsub.f32 v8, v4;
	v6 =	vsub.f32 v8, v6;
	v8 =	vld [tilespmem:s29+$0x40]  }
0x61: {  	v9 =	vadd.f32 $9.999999970e-07, v9;
	v3 =	vsub.f32 v3, v10;
	v10 =	vld [tilespmem:s28+$0x40]  }
0x62: {  	v14 =	vld [tilespmem:s26+$0x0];
	v4 =	vadd.f32 $9.999999970e-07, v4;
	v2 =	vsub.f32 v12, v2  }
0x63: {  	v9 =	vmul.f32 v9, v9;
	v0 =	vsub.f32 v12, v0;
	v3 =	vadd.f32 $9.999999970e-07, v3  }
0x64: {  	v1 =	vsub.f32 v13, v1;
	v4 =	vmul.f32 v4, v4;
	v12 =	vld [tilespmem:s26+$0x40];
	v2 =	vadd.f32 $9.999999970e-07, v2  }
0x65: {  	v7 =	vadd.f32 $9.999999970e-07, v7;
	v0 =	vadd.f32 $9.999999970e-07, v0;
	v3 =	vmul.f32 v3, v3;
	v15 =	vld [tilespmem:s26+$0x70]  }
0x66: {  	v4 =	vadd.f32 v9, v4;
	v8 =	vsub.f32 v10, v8;
	v2 =	vmul.f32 v2, v2;
	v9 =	vld [tilespmem:s29+$0x70]  }
0x67: {  	v5 =	vadd.f32 $9.999999970e-07, v5;
	v7 =	vmul.f32 v7, v7;
	v13 =	vsub.f32 v13, v14;
	v14 =	vld [tilespmem:s29+$0x60];
	s29 =	smov.u32 s2  }
0x68: {  	v1 =	vadd.f32 $9.999999970e-07, v1;
	v2 =	vadd.f32 v2, v4;
	v4 =	vld [tilespmem:s28+$0x60];
	s28 =	smov.u32 s15  }
0x69: {  	v5 =	vmul.f32 v5, v5;
	v13 =	vadd.f32 $9.999999970e-07, v13;
	v10 =	vsub.f32 v10, v12  }
0x6a: {  	v1 =	vmul.f32 v1, v1;
	v8 =	vadd.f32 $9.999999970e-07, v8;
	v12 =	vld [tilespmem:s26+$0x60];
	v15 =	vsub.f32 v11, v15;
	s26 =	smov.u32 s0  }
0x6b: {  	v13 =	vmul.f32 v13, v13;
	v10 =	vadd.f32 $9.999999970e-07, v10;
	v9 =	vsub.f32 v11, v9  }
0x6c: {  	v6 =	vadd.f32 $9.999999970e-07, v6;
	v1 =	vadd.f32 v5, v1;
	v5 =	vmul.f32 v8, v8  }
0x6d: {  	v7 =	vadd.f32 v7, v13;
	v8 =	vsub.f32 v4, v14  }
0x6e: {  	v6 =	vmul.f32 v6, v6;
	v1 =	vadd.f32 v5, v1;
	v5 =	vadd.f32 $9.999999970e-07, v9  }
0x6f: {  	v9 =	vmul.f32 v10, v10;
	v10 =	vadd.f32 $9.999999970e-07, v15;
	v4 =	vsub.f32 v4, v12  }
0x70: {  	v0 =	vmul.f32 v0, v0;
	v3 =	vadd.f32 v3, v6;
	v6 =	vadd.f32 $9.999999970e-07, v8  }
0x71: {  	v7 =	vadd.f32 v9, v7;
	v8 =	vmul.f32 v10, v10;
	v4 =	vadd.f32 $9.999999970e-07, v4  }
0x72: {  	v0 =	vadd.f32 v0, v3;
	v5 =	vmul.f32 v5, v5;
	v3 =	vmul.f32 v6, v6  }
0x73: {  	v2 =	vadd.f32 v8, v2;
	v4 =	vmul.f32 v4, v4  }
0x74: {  	v0 =	vadd.f32 v5, v0;
	v1 =	vadd.f32 v3, v1  }
0x75: {  	s17 =	sadd.s32 $0x10, s30;
	v3 =	vadd.f32 v4, v7  }
0x76: {  	s18 =	sand.u32 $0x380, s30;
	s17 =	sand.u32 $0x70, s17;
	s30 =	smov.u32 s16;
	v0 =	vadd.f32 v0, v1  }
0x77: {  	s16 =	sor.u32 s18, s17;
	v1 =	vadd.f32 v2, v3  }
0x78: {  	[tilespmem:s16+$0xC900] =	vst v0  }
0x79: {  	[tilespmem:s16+$0xC100] =	vst v1  }
0x7a: {  	v0 =	vld [tilespmem:s2+$0xFFFFFFE0]  }
0x7b: {  	v1 =	vld [tilespmem:s0+$0xFFFFFFC0]  }
0x7c: {  	v2 =	vld [tilespmem:s2+$0xFFFFFFC0]  }
0x7d: {  	v3 =	vld [tilespmem:s15+$0xFFFFFFC0]  }
0x7e: {  	v4 =	vld [tilespmem:s2+$0xFFFFFF90]  }
0x7f: {  	v5 =	vld [tilespmem:s15+$0xFFFFFF80]  }
0x80: {  	v6 =	vld [tilespmem:s2+$0xFFFFFF80]  }
0x81: {  	v7 =	vld [tilespmem:s2+$0xFFFFFFB0]  }
0x82: {  	v8 =	vld [tilespmem:s0+$0xFFFFFFB0];
	v1 =	vsub.f32 v3, v1;
	v2 =	vsub.f32 v3, v2  }
0x83: {  	v3 =	vld [tilespmem:s2+$0xFFFFFFA0]  }
0x84: {  	v9 =	vld [tilespmem:s15+$0xFFFFFFB0];
	v1 =	vadd.f32 $9.999999970e-07, v1;
	v2 =	vadd.f32 $9.999999970e-07, v2  }
0x85: {  	v6 =	vsub.f32 v5, v6;
	v10 =	vld [tilespmem:s0+$0xFFFFFFA0]  }
0x86: {  	v11 =	vld [tilespmem:s15+$0xFFFFFFA0]  }
0x87: {  	v6 =	vadd.f32 $9.999999970e-07, v6;
	v12 =	vld [tilespmem:s0+$0xFFFFFF90]  }
0x88: {  	v13 =	vld [tilespmem:s15+$0xFFFFFF90]  }
0x89: {  	v14 =	vld [tilespmem:s0+$0xFFFFFF80];
	v8 =	vsub.f32 v9, v8;
	v7 =	vsub.f32 v9, v7  }
0x8a: {  	v9 =	vld [tilespmem:s15+$0xFFFFFFD0]  }
0x8b: {  	v10 =	vsub.f32 v11, v10;
	v3 =	vsub.f32 v11, v3;
	v11 =	vld [tilespmem:s2+$0xFFFFFFD0]  }
0x8c: {  	v2 =	vmul.f32 v2, v2;
	v8 =	vadd.f32 $9.999999970e-07, v8;
	v7 =	vadd.f32 $9.999999970e-07, v7;
	v15 =	vld [tilespmem:s0+$0xFFFFFFD0]  }
0x8d: {  	v6 =	vmul.f32 v6, v6;
	v12 =	vsub.f32 v13, v12;
	v10 =	vadd.f32 $9.999999970e-07, v10;
	v16 =	vld [tilespmem:s15+$0xFFFFFFE0]  }
0x8e: {  	v4 =	vsub.f32 v13, v4;
	v8 =	vmul.f32 v8, v8;
	v5 =	vsub.f32 v5, v14  }
0x8f: {  	v3 =	vadd.f32 $9.999999970e-07, v3;
	v7 =	vmul.f32 v7, v7;
	v12 =	vadd.f32 $9.999999970e-07, v12;
	v13 =	vld [tilespmem:s0+$0xFFFFFFF0]  }
0x90: {  	v5 =	vadd.f32 $9.999999970e-07, v5;
	v11 =	vsub.f32 v9, v11;
	v14 =	vld [tilespmem:s0+$0xFFFFFFE0]  }
0x91: {  	v4 =	vadd.f32 $9.999999970e-07, v4;
	v12 =	vmul.f32 v12, v12;
	v9 =	vsub.f32 v9, v15;
	v15 =	vld [tilespmem:s15+$0xFFFFFFF0]  }
0x92: {  	v10 =	vmul.f32 v10, v10;
	v5 =	vmul.f32 v5, v5;
	v0 =	vsub.f32 v16, v0;
	v17 =	vld [tilespmem:s2+$0xFFFFFFF0]  }
0x93: {  	v3 =	vmul.f32 v3, v3;
	v11 =	vadd.f32 $9.999999970e-07, v11;
	v8 =	vadd.f32 v8, v12  }
0x94: {  	v1 =	vmul.f32 v1, v1;
	v9 =	vadd.f32 $9.999999970e-07, v9;
	v5 =	vadd.f32 v10, v5  }
0x95: {  	v3 =	vadd.f32 v3, v6;
	v0 =	vadd.f32 $9.999999970e-07, v0  }
0x96: {  	v4 =	vmul.f32 v4, v4;
	v1 =	vadd.f32 v1, v5;
	v5 =	vsub.f32 v16, v14  }
0x97: {  	v6 =	vmul.f32 v11, v11;
	v10 =	vsub.f32 v15, v13;
	v11 =	vsub.f32 v15, v17  }
0x98: {  	v4 =	vadd.f32 v7, v4;
	v2 =	vadd.f32 v2, v3;
	v0 =	vmul.f32 v0, v0  }
0x99: {  	v3 =	vmul.f32 v9, v9;
	v5 =	vadd.f32 $9.999999970e-07, v5;
	v7 =	vadd.f32 $9.999999970e-07, v11  }
0x9a: {  	v4 =	vadd.f32 v6, v4;
	v0 =	vadd.f32 v0, v2  }
0x9b: {  	v2 =	vadd.f32 v3, v8;
	v3 =	vmul.f32 v5, v5;
	v5 =	vadd.f32 $9.999999970e-07, v10  }
0x9c: {  	v6 =	vmul.f32 v7, v7  }
0x9d: {  	v1 =	vadd.f32 v3, v1;
	v3 =	vmul.f32 v5, v5  }
0x9e: {  	v4 =	vadd.f32 v6, v4  }
0x9f: {  	v2 =	vadd.f32 v3, v2  }
0xa0: {  	v0 =	vadd.f32 v4, v0  }
0xa1: {  	v1 =	vadd.f32 v2, v1;
	_ =	sdelay $0x1  }
0xa2: {  	[tilespmem:s13+$0x0] =	vst v1  }
0xa3: {  	[tilespmem:s14+$0x0] =	vst v0  }
0xa4: {  	v0 =	vld [tilespmem:s2+$0x50]  }
0xa5: {  	v2 =	vld [tilespmem:s0+$0x50]  }
0xa6: {  	v1 =	vld [tilespmem:s2+$0x0]  }
0xa7: {  	v4 =	vld [tilespmem:s0+$0x10]  }
0xa8: {  	v3 =	vld [tilespmem:s15+$0x30]  }
0xa9: {  	v9 =	vld [tilespmem:s0+$0x30]  }
0xaa: {  	v5 =	vld [tilespmem:s15+$0x20]  }
.Ltmp0:
0xab: {  	v7 =	vld [tilespmem:s0+$0x20];
	(pc) =	sbr.rel @p0 .LBB2_2-.Ltmp0, $4  }
0xac: {  	v6 =	vld [tilespmem:s2+$0x10]  }
0xad: {  	v11 =	vld [tilespmem:s2+$0x20]  }
0xae: {  	v8 =	vld [tilespmem:s15+$0x10];
	v9 =	vsub.f32 v3, v9  }
0xaf: {  	s0 =	sadd.s32 $0x100, s0;
	s2 =	sadd.s32 $0x100, s2;
	v10 =	vld [tilespmem:s29+$0x30]  }
0xb0: {  	v12 =	vld [tilespmem:s28+$0x50]  }
0xb1: {  	v13 =	vld [tilespmem:s28+$0x0]  }
0xb2: {  	v44 =	vld [tilespmem:s29+$0x40]  }
0xb3: {  	v45 =	vld [tilespmem:s28+$0x40]  }
0xb4: {  	v46 =	vld [tilespmem:s26+$0x0]  }
0xb5: {  	v47 =	vld [tilespmem:s26+$0x40]  }
0xb6: {  	v7 =	vsub.f32 v5, v7;
	v14 =	vld [tilespmem:s28+$0x70]  }
0xb7: {  	v9 =	vadd.f32 $9.999999970e-07, v9;
	v15 =	vld [tilespmem:s26+$0x70];
	v43 =	vsub.f32 v5, v11  }
0xb8: {  	v48 =	vld [tilespmem:s29+$0x70];
	v7 =	vadd.f32 $9.999999970e-07, v7;
	v4 =	vsub.f32 v8, v4  }
0xb9: {  	v49 =	vld [tilespmem:s29+$0x60];
	v6 =	vsub.f32 v8, v6;
	v3 =	vsub.f32 v3, v10  }
0xba: {  	v51 =	vld [tilespmem:s28+$0x60];
	v5 =	vadd.f32 $9.999999970e-07, v43;
	v4 =	vadd.f32 $9.999999970e-07, v4  }
0xbb: {  	v52 =	vld [tilespmem:s26+$0x60];
	v2 =	vsub.f32 v12, v2;
	v0 =	vsub.f32 v12, v0  }
0xbc: {  	v1 =	vsub.f32 v13, v1;
	v8 =	vsub.f32 v45, v44  }
0xbd: {  	v11 =	vsub.f32 v13, v46;
	v10 =	vsub.f32 v45, v47  }
0xbe: {  	v15 =	vsub.f32 v14, v15;
	v6 =	vadd.f32 $9.999999970e-07, v6  }
0xbf: {  	v54 =	vsub.f32 v14, v48;
	v55 =	vsub.f32 v51, v49  }
0xc0: {  	v50 =	vmul.f32 v7, v7;
	v7 =	vsub.f32 v51, v52;
	v3 =	vadd.f32 $9.999999970e-07, v3  }
0xc1: {  	v9 =	vmul.f32 v9, v9;
	v2 =	vadd.f32 $9.999999970e-07, v2;
	v0 =	vadd.f32 $9.999999970e-07, v0  }
0xc2: {  	v5 =	vmul.f32 v5, v5;
	v1 =	vadd.f32 $9.999999970e-07, v1;
	v11 =	vadd.f32 $9.999999970e-07, v11  }
0xc3: {  	v4 =	vmul.f32 v4, v4;
	v8 =	vadd.f32 $9.999999970e-07, v8;
	v10 =	vadd.f32 $9.999999970e-07, v10  }
0xc4: {  	v6 =	vmul.f32 v6, v6;
	v56 =	vadd.f32 $9.999999970e-07, v54;
	v57 =	vadd.f32 $9.999999970e-07, v55  }
0xc5: {  	v59 =	vadd.f32 $9.999999970e-07, v15;
	v3 =	vmul.f32 v3, v3;
	v2 =	vmul.f32 v2, v2  }
0xc6: {  	v7 =	vadd.f32 $9.999999970e-07, v7;
	v1 =	vmul.f32 v1, v1;
	v11 =	vmul.f32 v11, v11  }
0xc7: {  	v4 =	vadd.f32 v9, v4;
	v53 =	vmul.f32 v8, v8;
	v0 =	vmul.f32 v0, v0  }
0xc8: {  	v58 =	vmul.f32 v10, v10;
	v3 =	vadd.f32 v3, v6;
	v1 =	vadd.f32 v5, v1  }
0xc9: {  	v60 =	vmul.f32 v57, v57;
	v2 =	vadd.f32 v2, v4;
	v4 =	vadd.f32 v50, v11  }
0xca: {  	v5 =	vmul.f32 v56, v56;
	v0 =	vadd.f32 v0, v3;
	v1 =	vadd.f32 v53, v1  }
0xcb: {  	v61 =	vmul.f32 v59, v59;
	v7 =	vmul.f32 v7, v7;
	v4 =	vadd.f32 v58, v4  }
0xcc: {  	v0 =	vadd.f32 v5, v0;
	v1 =	vadd.f32 v60, v1  }
0xcd: {  	s0 =	sadd.s32 $0x10, s30;
	v2 =	vadd.f32 v61, v2;
	v62 =	vadd.f32 v7, v4  }
0xce: {  	s2 =	sand.u32 $0x380, s30;
	s0 =	sand.u32 $0x70, s0;
	v0 =	vadd.f32 v0, v1  }
0xcf: {  	s0 =	sor.u32 s2, s0;
	v63 =	vadd.f32 v2, v62  }
0xd0: {  	[tilespmem:s0+$0xC900] =	vst v0  }
0xd1: {  	[tilespmem:s0+$0xC100] =	vst v63  }
0xd2: {  	_ =	swait.ge [sflag:s21], $0x2000  }
0xd3: {  	[sflag:s21] =	ssyncset.done $0x0  }
0xd4: {  	[sflag:s21] =	ssyncadd.s32 $0xFFFFE000  }
0xd5: {  	_ =	swait.ge [sflag:s22], $0x2000  }
0xd6: {  	s13 =	simm.s32 $0xCD00;
	s14 =	simm.s32 $0x400;
	[sflag:s22] =	ssyncset.done $0x0  }
0xd7: {  	s2 =	simm.s32 $0xC500;
	s0 =	simm.s32 $0x0;
	[sflag:s22] =	ssyncadd.s32 $0xFFFFE000  }
.LBB2_4:
0xd8: {  	s15 =	sshra.s32 s0, $0x2  }
0xd9: {  	v0 =	vld [tilespmem:s15+$0x2100]  }
0xda: {  	v1 =	vld [tilespmem:s15+$0x6100]  }
0xdb: {  	v2 =	vld [tilespmem:s15+$0xA100]  }
0xdc: {  	v3 =	vld [tilespmem:s15+$0x2110]  }
0xdd: {  	v4 =	vld [tilespmem:s15+$0x6110]  }
0xde: {  	v5 =	vld [tilespmem:s15+$0xA110]  }
0xdf: {  	v6 =	vld [tilespmem:s15+$0x2120]  }
0xe0: {  	v7 =	vld [tilespmem:s15+$0x6120]  }
0xe1: {  	v8 =	vld [tilespmem:s15+$0xA120]  }
0xe2: {  	v9 =	vld [tilespmem:s15+$0x2130]  }
0xe3: {  	v10 =	vld [tilespmem:s15+$0x6130]  }
0xe4: {  	v16 =	vld [tilespmem:s15+$0xA130]  }
0xe5: {  	v11 =	vld [tilespmem:s15+$0x2140]  }
0xe6: {  	v12 =	vld [tilespmem:s15+$0x6140]  }
0xe7: {  	v17 =	vld [tilespmem:s15+$0xA140]  }
0xe8: {  	v18 =	vld [tilespmem:s15+$0x2150]  }
0xe9: {  	v19 =	vld [tilespmem:s15+$0x6150]  }
0xea: {  	v13 =	vld [tilespmem:s15+$0xA150]  }
0xeb: {  	v14 =	vld [tilespmem:s15+$0x2160];
	v1 =	vsub.f32 v0, v1  }
0xec: {  	v20 =	vld [tilespmem:s15+$0x6160];
	v0 =	vsub.f32 v0, v2;
	v4 =	vsub.f32 v3, v4  }
0xed: {  	v22 =	vld [tilespmem:s15+$0xA160];
	v7 =	vsub.f32 v6, v7;
	v3 =	vsub.f32 v3, v5  }
0xee: {  	v6 =	vsub.f32 v6, v8;
	v10 =	vsub.f32 v9, v10  }
0xef: {  	v2 =	vsub.f32 v9, v16;
	v12 =	vsub.f32 v11, v12  }
0xf0: {  	v5 =	vsub.f32 v11, v17;
	v9 =	vsub.f32 v18, v19  }
0xf1: {  	v8 =	vsub.f32 v18, v13;
	v28 =	vsub.f32 v14, v20  }
0xf2: {  	v29 =	vsub.f32 v14, v22;
	v1 =	vadd.f32 $9.999999970e-07, v1  }
0xf3: {  	v0 =	vadd.f32 $9.999999970e-07, v0;
	v4 =	vadd.f32 $9.999999970e-07, v4  }
0xf4: {  	v7 =	vadd.f32 $9.999999970e-07, v7;
	v3 =	vadd.f32 $9.999999970e-07, v3  }
0xf5: {  	v6 =	vadd.f32 $9.999999970e-07, v6;
	v10 =	vadd.f32 $9.999999970e-07, v10  }
0xf6: {  	v15 =	vld [tilespmem:s15+$0x2170];
	v2 =	vadd.f32 $9.999999970e-07, v2;
	v12 =	vadd.f32 $9.999999970e-07, v12  }
0xf7: {  	v23 =	vld [tilespmem:s15+$0x6170];
	v5 =	vadd.f32 $9.999999970e-07, v5;
	v26 =	vadd.f32 $9.999999970e-07, v9;
	v1 =	vmul.f32 v1, v1  }
0xf8: {  	v25 =	vld [tilespmem:s15+$0xA170];
	v27 =	vadd.f32 $9.999999970e-07, v8;
	v0 =	vmul.f32 v0, v0;
	v4 =	vmul.f32 v4, v4  }
0xf9: {  	v8 =	vadd.f32 $9.999999970e-07, v28;
	v7 =	vmul.f32 v7, v7;
	v3 =	vmul.f32 v3, v3  }
0xfa: {  	v9 =	vadd.f32 $9.999999970e-07, v29;
	v6 =	vmul.f32 v6, v6;
	v21 =	vmul.f32 v10, v10  }
0xfb: {  	v2 =	vmul.f32 v2, v2;
	v24 =	vmul.f32 v12, v12;
	v1 =	vadd.f32 v7, v1  }
0xfc: {  	v5 =	vmul.f32 v5, v5;
	v0 =	vadd.f32 v6, v0;
	v6 =	vsub.f32 v15, v23  }
0xfd: {  	v30 =	vmul.f32 v8, v8;
	v4 =	vadd.f32 v21, v4;
	v7 =	vsub.f32 v15, v25  }
0xfe: {  	v2 =	vadd.f32 v2, v3;
	v3 =	vmul.f32 v26, v26;
	v6 =	vadd.f32 $9.999999970e-07, v6  }
0xff: {  	v0 =	vadd.f32 v5, v0;
	v5 =	vmul.f32 v27, v27;
	v7 =	vadd.f32 $9.999999970e-07, v7  }
0x100: {  	v1 =	vadd.f32 v24, v1;
	v3 =	vadd.f32 v3, v4;
	v6 =	vmul.f32 v6, v6  }
0x101: {  	v31 =	vmul.f32 v9, v9;
	v2 =	vadd.f32 v5, v2;
	v7 =	vmul.f32 v7, v7  }
0x102: {  	v1 =	vadd.f32 v30, v1;
	v3 =	vadd.f32 v6, v3  }
0x103: {  	v0 =	vadd.f32 v31, v0;
	v2 =	vadd.f32 v7, v2  }
0x104: {  	v1 =	vadd.f32 v3, v1  }
0x105: {  	v0 =	vadd.f32 v2, v0  }
0x106: {  	[tilespmem:s2+$0x0] =	vst v1  }
0x107: {  	[tilespmem:s13+$0x0] =	vst v0  }
0x108: {  	v0 =	vld [tilespmem:s15+$0x2180]  }
0x109: {  	v1 =	vld [tilespmem:s15+$0x6180]  }
0x10a: {  	v32 =	vld [tilespmem:s15+$0xA180]  }
0x10b: {  	v33 =	vld [tilespmem:s15+$0x2190]  }
0x10c: {  	v34 =	vld [tilespmem:s15+$0x6190]  }
0x10d: {  	v35 =	vld [tilespmem:s15+$0xA190]  }
0x10e: {  	v36 =	vld [tilespmem:s15+$0x21A0]  }
0x10f: {  	v37 =	vld [tilespmem:s15+$0x61A0]  }
0x110: {  	v38 =	vld [tilespmem:s15+$0xA1A0]  }
0x111: {  	v39 =	vld [tilespmem:s15+$0x21B0]  }
0x112: {  	v40 =	vld [tilespmem:s15+$0x61B0]  }
0x113: {  	v41 =	vld [tilespmem:s15+$0xA1B0]  }
0x114: {  	v42 =	vld [tilespmem:s15+$0x21C0]  }
0x115: {  	v43 =	vld [tilespmem:s15+$0x61C0]  }
0x116: {  	v44 =	vld [tilespmem:s15+$0xA1C0]  }
0x117: {  	v45 =	vld [tilespmem:s15+$0x21D0]  }
0x118: {  	v46 =	vld [tilespmem:s15+$0x61D0]  }
0x119: {  	v47 =	vld [tilespmem:s15+$0xA1D0]  }
0x11a: {  	v48 =	vld [tilespmem:s15+$0x21E0]  }
0x11b: {  	v49 =	vld [tilespmem:s15+$0x61E0]  }
0x11c: {  	v50 =	vld [tilespmem:s15+$0xA1E0];
	v1 =	vsub.f32 v0, v1  }
0x11d: {  	v52 =	vld [tilespmem:s15+$0x21F0];
	v0 =	vsub.f32 v0, v32;
	v4 =	vsub.f32 v33, v34  }
0x11e: {  	v54 =	vld [tilespmem:s15+$0x61F0];
	v3 =	vsub.f32 v33, v35;
	v7 =	vsub.f32 v36, v37  }
0x11f: {  	v6 =	vsub.f32 v36, v38;
	v10 =	vsub.f32 v39, v40  }
0x120: {  	v2 =	vsub.f32 v39, v41;
	v12 =	vsub.f32 v42, v43  }
0x121: {  	v5 =	vsub.f32 v42, v44;
	v56 =	vsub.f32 v45, v46  }
0x122: {  	v57 =	vsub.f32 v45, v47;
	v58 =	vsub.f32 v48, v49  }
0x123: {  	v59 =	vsub.f32 v48, v50;
	v60 =	vsub.f32 v52, v54  }
0x124: {  	v1 =	vadd.f32 $9.999999970e-07, v1;
	v0 =	vadd.f32 $9.999999970e-07, v0  }
0x125: {  	v4 =	vadd.f32 $9.999999970e-07, v4;
	v3 =	vadd.f32 $9.999999970e-07, v3  }
0x126: {  	v7 =	vadd.f32 $9.999999970e-07, v7;
	v6 =	vadd.f32 $9.999999970e-07, v6  }
0x127: {  	v10 =	vadd.f32 $9.999999970e-07, v10;
	v2 =	vadd.f32 $9.999999970e-07, v2  }
0x128: {  	v55 =	vld [tilespmem:s15+$0xA1F0];
	v12 =	vadd.f32 $9.999999970e-07, v12;
	v1 =	vmul.f32 v1, v1;
	v0 =	vmul.f32 v0, v0  }
0x129: {  	v5 =	vadd.f32 $9.999999970e-07, v5;
	v4 =	vmul.f32 v4, v4;
	v3 =	vmul.f32 v3, v3  }
0x12a: {  	v9 =	vadd.f32 $9.999999970e-07, v60;
	v6 =	vmul.f32 v6, v6;
	v2 =	vmul.f32 v2, v2  }
0x12b: {  	v8 =	vadd.f32 $9.999999970e-07, v59;
	v7 =	vmul.f32 v7, v7;
	v51 =	vmul.f32 v10, v10  }
0x12c: {  	v5 =	vmul.f32 v5, v5;
	v0 =	vadd.f32 v6, v0;
	v2 =	vadd.f32 v2, v3  }
0x12d: {  	v53 =	vmul.f32 v12, v12;
	v3 =	vsub.f32 v52, v55;
	v6 =	vadd.f32 $9.999999970e-07, v57  }
0x12e: {  	v62 =	vmul.f32 v9, v9;
	v0 =	vadd.f32 v5, v0;
	v5 =	vadd.f32 $9.999999970e-07, v56  }
0x12f: {  	v1 =	vadd.f32 v7, v1;
	v6 =	vmul.f32 v6, v6;
	v3 =	vadd.f32 $9.999999970e-07, v3  }
0x130: {  	v4 =	vadd.f32 v51, v4;
	v7 =	vadd.f32 $9.999999970e-07, v58;
	v5 =	vmul.f32 v5, v5  }
0x131: {  	v63 =	vmul.f32 v8, v8;
	v2 =	vadd.f32 v6, v2;
	v3 =	vmul.f32 v3, v3  }
0x132: {  	v1 =	vadd.f32 v53, v1;
	v61 =	vmul.f32 v7, v7;
	v4 =	vadd.f32 v5, v4  }
0x133: {  	p0 =	sne.s32 s0, $0x7C00;
	v0 =	vadd.f32 v63, v0;
	v2 =	vadd.f32 v3, v2  }
.Ltmp1:
0x134: {  	s31 =	sadd.s32 $0x10, s14;
	v1 =	vadd.f32 v61, v1;
	v4 =	vadd.f32 v62, v4;
	(pc) =	sbr.rel @p0 .LBB2_4-.Ltmp1, $4  }
0x135: {  	s16 =	sand.u32 $0x780, s14;
	s15 =	sand.u32 $0x70, s31;
	v0 =	vadd.f32 v2, v0  }
0x136: {  	s15 =	sor.u32 s16, s15;
	v1 =	vadd.f32 v4, v1  }
0x137: {  	s14 =	sadd.s32 $0x20, s14;
	[tilespmem:s15+$0xC900] =	vst v0  }
0x138: {  	s0 =	sadd.s32 $0x400, s0;
	s2 =	sadd.s32 $0x20, s2;
	s13 =	sadd.s32 $0x20, s13;
	[tilespmem:s15+$0xC100] =	vst v1  }
0x139: {  	[hbm4b:s7+s3] =	stream.linear.scatter [tilespmem:s23], [sflag:$0x5], $0x800, $0x38;
	[tilespmem:$0xD100] =	vst v63  }
0x13a: {  	s25 =	sadd.s32 $0x1, s25;
	_ =	swait.ge [sflag:s10], $0x800  }
0x13b: {  	p0 =	sne.s32 s25, s9;
	[sflag:s10] =	ssyncset.done $0x0  }
.Ltmp2:
0x13c: {  	[sflag:s10] =	ssyncadd.s32 $0xFFFFF800;
	(pc) =	sbr.rel @p0 .LBB2_1-.Ltmp2, $4  }
0x13d: {  	[hbm4b:s8+s3] =	stream.linear.scatter [tilespmem:s24], [sflag:$0x5], $0x800, $0x38;
	[tilespmem:$0xD100] =	vst v63  }
0x13e: {  	_ =	swait.ge [sflag:s10], $0x800  }
0x13f: {  	[sflag:s10] =	ssyncset.done $0x0  }
0x140: {  	[sflag:s10] =	ssyncadd.s32 $0xFFFFF800  }
0x141: {  	_ =	sfence.sel $0x180000  }
0x142: {  	[bflag:$0x0] =	sbarrier.arrive $0xFFFF  }
0x143: {  	_ =	strace $0x90000047  }
0x144: {  	s0 =	stileid.u32;
	[bflag:$0x2] =	sbarrier.arrive $0xFFFF  }
0x145: {  	p0 =	sne.s32 s0, $0x0;
	s0 =	rddreg [dreg:$0x2]  }
0x146: {  	s0 =	sadd.s32 @!p0 $0x100000, s0  }
0x147: {  	[sflag:s0] =	ssyncadd.tile.s32 @!p0 $0x1;
	_ =	shalt  }
.Lfunc_end2:
_tile_overlayer_lowered:
.L_overlay_start_2:
0x148: {  	(tag) =	ssettag $0x2  }
0x149: {  	s0 =	rddreg [dreg:$0x0];
	s2 =	stileid.u32  }
0x14a: {  	s1 =	rddreg [dreg:$0x1];
	p0 =	sne.s32 s2, $0x0  }
0x14b: {  	s3 =	rddreg [dreg:$0x2];
	[bflag:$0x3] =	sbarrier.arrive $0xFFFF;
	s2 =	simm.s32 @!p0 $0x1C05  }
0x14c: {  	[timem:s3], [sflag:s2] =	dma.local @!p0 [hbm:s0], s1  }
0x14d: {  	s0 =	simm.s32 @!p0 $0x5  }
0x14e: {  	_ =	swait.ge @!p0 [sflag:s0], s1  }
0x14f: {  	s1 =	ssub.s32 @!p0 $0x0, s1;
	[sflag:s0] =	ssyncset.done @!p0 $0x0  }
0x150: {  	[sflag:s0] =	ssyncadd.s32 @!p0 s1  }
0x151: {  	[bflag:$0x3] =	sbarrier.arrive $0xFFFF  }
0x152: {  	_ =	shalt  }

</sc_bundles>
